<compile_context>
chip_gen: v7x
topology: tpu7x:2x2x1
jax: 0.10.2.dev20260603
libtpu: 0.0.44.dev20260713+nightly
codegen_flags: <defaults>
</compile_context>

<pallas_src>
import functools

import jax
import jax.numpy as jnp
from jax import lax
from jax.experimental import pallas as pl
from jax.experimental.pallas import tpu as pltpu
from jax.experimental.pallas import tpu_sc as plsc

_BT = 1024
_K = 4
_L = 16
_DM = 128
_DA = 64
_KL = 32
_PW = 128


def _geom_body(x_ref, xf_ref, Wl_ref, sig_ref, mu_ref, blift_ref,
               gidx_ref, F_ref, P_ref, wl_s, bl_s):
    b = pl.program_id(0)
    i = pl.program_id(1)
    xr = x_ref[0]
    xf = xf_ref[0]
    T = xf.shape[0]
    D = xf.shape[1]

    @pl.when((b == 0) & (i == 0))
    def _fold():
        wl_s[...] = Wl_ref[...] / sig_ref[...]
        bl_s[...] = blift_ref[...] - lax.dot_general(
            mu_ref[...] / sig_ref[...], Wl_ref[...], (((0,), (0,)), ((), ())),
            preferred_element_type=jnp.float32)

    Wl = wl_s[...]
    b_l = bl_s[...]
    sq_r = jnp.sum(xr * xr, axis=1, keepdims=True)
    sq_c = jnp.sum(xf * xf, axis=1, keepdims=True).reshape(1, T)
    G2 = lax.dot_general(-2.0 * xr, xf, (((1,), (1,)), ((), ())),
                         preferred_element_type=jnp.float32)
    col = lax.broadcasted_iota(jnp.int32, (_BT, T), 1)
    rowg = i * _BT + lax.broadcasted_iota(jnp.int32, (_BT, T), 0)
    vals = jnp.where(col == rowg, 1e9, G2 + sq_c)
    dist_acc = jnp.zeros((_BT, 1), jnp.float32)
    for k in range(_K):
        m = jnp.min(vals, axis=1, keepdims=True)
        sel = vals == m
        idxk = jnp.min(jnp.where(sel, col, T), axis=1, keepdims=True)
        dist_acc = dist_acc + jnp.sqrt(jnp.maximum(m + sq_r, 0.0))
        gidx_ref[0, :, pl.ds(k, 1)] = idxk + b * T
        vals = jnp.where(sel, 3e9, vals)
    P_ref[0, :, :_KL] = jnp.dot(xr, Wl[D:2 * D],
                                preferred_element_type=jnp.float32)
    F_ref[0] = (jnp.dot(xr, Wl[:D], preferred_element_type=jnp.float32)
                + jnp.sqrt(sq_r) * Wl[2 * D:2 * D + 1]
                + (dist_acc * (1.0 / _K)) * Wl[2 * D + 1:2 * D + 2]
                + b_l)

def _router_body(x_ref, fb_ref, Wu_ref, bu_ref, Wk_ref, bk_ref, Wq_ref,
                 bq_ref, pos_ref, Wz_ref, Wih_ref, bih_ref,
                 Whh_ref, bhh_ref, ay_ref, mem_ref):
    x = x_ref[...]
    BT2 = x.shape[0]
    T = BT2 // 2
    u = jnp.tanh(jnp.dot(x, Wu_ref[...],
                         preferred_element_type=jnp.float32) + bu_ref[...])
    keys = jnp.dot(u, Wk_ref[...],
                   preferred_element_type=jnp.float32) + bk_ref[...]
    k0T = keys[:T].T
    k1T = keys[T:].T
    fb = fb_ref[...].reshape(2, 1)
    Wihm = Wih_ref[:_DM]
    gi_fb = fb * Wih_ref[_DM:_DM + 1] + bih_ref[...]
    pos = pos_ref[...]
    inv_sqrt_da = 1.0 / (_DA ** 0.5)
    mem_ref[:, 0:1, :] = jnp.zeros((2, 1, _DM), jnp.float32)

    def stage(l, carry):
        m, cov = carry
        q = jnp.tanh(jnp.dot(m, Wq_ref[...],
                             preferred_element_type=jnp.float32) + bq_ref[...])
        s0 = jnp.dot(q[0:1], k0T, preferred_element_type=jnp.float32)
        s1 = jnp.dot(q[1:2], k1T, preferred_element_type=jnp.float32)
        s = (jnp.concatenate([s0, s1], axis=0) * inv_sqrt_da + pos - cov)
        s = s - jnp.max(s, axis=1, keepdims=True)
        e = jnp.exp(s)
        y = e / jnp.sum(e, axis=1, keepdims=True)
        z0 = jnp.dot(y[0:1], x[:T], preferred_element_type=jnp.float32)
        z1 = jnp.dot(y[1:2], x[T:], preferred_element_type=jnp.float32)
        z = jnp.concatenate([z0, z1], axis=0)
        a = jnp.tanh(jnp.dot(z, Wz_ref[...],
                             preferred_element_type=jnp.float32))
        gi = jnp.dot(a, Wihm,
                     preferred_element_type=jnp.float32) + gi_fb
        gh = jnp.dot(m, Whh_ref[...],
                     preferred_element_type=jnp.float32) + bhh_ref[...]
        r = jax.nn.sigmoid(gi[:, :_DM] + gh[:, :_DM])
        zz = jax.nn.sigmoid(gi[:, _DM:2 * _DM] + gh[:, _DM:2 * _DM])
        n = jnp.tanh(gi[:, 2 * _DM:] + r * gh[:, 2 * _DM:])
        m2 = (1.0 - zz) * n + zz * m
        ay_ref[:, pl.ds(l, 1), :] = y.reshape(2, 1, T)
        mem_ref[:, pl.ds(l + 1, 1), :] = m2.reshape(2, 1, _DM)
        return m2, cov + y

    lax.fori_loop(0, _L, stage,
                  (jnp.zeros((2, _DM), jnp.float32),
                   jnp.zeros((2, T), jnp.float32)))


def _combine_body(ay_ref, F_ref, nb_ref, Wp_ref, bp_ref, tok_ref, ys_ref):
    ay = ay_ref[0]
    nbsum = nb_ref[0][:, :_KL]
    lift = jnp.tanh(F_ref[0] + nbsum * (1.0 / _K))
    mass = jnp.clip(jnp.sum(ay, axis=1, keepdims=True), 1e-6, None)
    cloud = jnp.dot(ay, lift, preferred_element_type=jnp.float32) / mass
    tok_ref[0] = jnp.dot(cloud, Wp_ref[...],
                         preferred_element_type=jnp.float32) + bp_ref[...]
    ys_ref[0] = jnp.mean(ay, axis=0, keepdims=True)


def _sc_gather_mean(table, idx):
    M = idx.shape[0] // _K
    info = plsc.get_sparse_core_info()
    NW = info.num_cores * info.num_subcores
    t_per_w = M // NW
    mesh = plsc.VectorSubcoreMesh(core_axis_name="c", subcore_axis_name="s")

    @functools.partial(
        pl.kernel, mesh=mesh,
        out_type=jax.ShapeDtypeStruct((M, _PW), jnp.float32),
        scratch_types=[
            pltpu.VMEM((_K * t_per_w,), jnp.int32),
            pltpu.VMEM((_K * t_per_w, _PW), jnp.float32),
            pltpu.VMEM((t_per_w, _PW), jnp.float32),
            pltpu.SemaphoreType.DMA,
        ],
    )
    def gather_k(table_hbm, idx_hbm, out_hbm, idx_v, rows_v, acc_v, sem):
        wid = lax.axis_index("s") * info.num_cores + lax.axis_index("c")
        pltpu.sync_copy(idx_hbm.at[pl.ds(wid * (_K * t_per_w), _K * t_per_w)],
                        idx_v)
        pltpu.async_copy(table_hbm.at[idx_v], rows_v, sem).wait()

        def tok(i, _):
            for j in range(_KL // 16):
                sl = pl.ds(j * 16, 16)
                acc_v[i, sl] = (rows_v[4 * i, sl] + rows_v[4 * i + 1, sl]
                                + rows_v[4 * i + 2, sl] + rows_v[4 * i + 3, sl])
            return 0

        lax.fori_loop(0, t_per_w, tok, 0)
        pltpu.sync_copy(acc_v, out_hbm.at[pl.ds(wid * t_per_w, t_per_w)])

    return gather_k(table, idx)


def kernel(x, feedback, W_u, b_u, W_q, b_q, W_k, b_k, pos_bias, W_z,
           W_ih, W_hh, b_ih, b_hh, lift_mu, lift_sigma, W_lift, b_lift,
           W_proj, b_proj):
    B, T, D = x.shape
    AD = W_lift.shape[0]
    DMODEL = W_proj.shape[1]

    fb3 = feedback.reshape(B, 1, 1)
    pos2 = pos_bias[:T][None, :]
    sig2, mu2 = lift_sigma[:, None], lift_mu[:, None]
    bl2 = b_lift[None, :]
    bu2, bk2, bq2 = b_u[None, :], b_k[None, :], b_q[None, :]
    bih2, bhh2, bp2 = b_ih[None, :], b_hh[None, :], b_proj[None, :]

    nblk = T // _BT
    gidx, F, P = pl.pallas_call(
        _geom_body,
        grid=(B, nblk),
        in_specs=[
            pl.BlockSpec((1, _BT, D), lambda b, i: (b, i, 0)),
            pl.BlockSpec((1, T, D), lambda b, i: (b, 0, 0)),
            pl.BlockSpec((AD, _KL), lambda b, i: (0, 0)),
            pl.BlockSpec((AD, 1), lambda b, i: (0, 0)),
            pl.BlockSpec((AD, 1), lambda b, i: (0, 0)),
            pl.BlockSpec((1, _KL), lambda b, i: (0, 0)),
        ],
        out_specs=[
            pl.BlockSpec((1, _BT, _K), lambda b, i: (b, i, 0)),
            pl.BlockSpec((1, _BT, _KL), lambda b, i: (b, i, 0)),
            pl.BlockSpec((1, _BT, _PW), lambda b, i: (b, i, 0)),
        ],
        out_shape=[
            jax.ShapeDtypeStruct((B, T, _K), jnp.int32),
            jax.ShapeDtypeStruct((B, T, _KL), jnp.float32),
            jax.ShapeDtypeStruct((B, T, _PW), jnp.float32),
        ],
        scratch_shapes=[
            pltpu.VMEM((AD, _KL), jnp.float32),
            pltpu.VMEM((1, _KL), jnp.float32),
        ],
    )(x, x, W_lift, sig2, mu2, bl2)

    nb = _sc_gather_mean(P.reshape(B * T, _PW),
                         gidx.reshape(-1)).reshape(B, T, _PW)

    x2d = x.reshape(B * T, D)
    all_y, all_memory = pl.pallas_call(
        _router_body,
        grid=(1,),
        in_specs=[
            pl.BlockSpec((B * T, D), lambda g: (0, 0)),
            pl.BlockSpec((B, 1, 1), lambda g: (0, 0, 0)),
            pl.BlockSpec((D, _DM), lambda g: (0, 0)),
            pl.BlockSpec((1, _DM), lambda g: (0, 0)),
            pl.BlockSpec((_DM, _DA), lambda g: (0, 0)),
            pl.BlockSpec((1, _DA), lambda g: (0, 0)),
            pl.BlockSpec((_DM, _DA), lambda g: (0, 0)),
            pl.BlockSpec((1, _DA), lambda g: (0, 0)),
            pl.BlockSpec((1, T), lambda g: (0, 0)),
            pl.BlockSpec((D, _DM), lambda g: (0, 0)),
            pl.BlockSpec((_DM + 1, 3 * _DM), lambda g: (0, 0)),
            pl.BlockSpec((1, 3 * _DM), lambda g: (0, 0)),
            pl.BlockSpec((_DM, 3 * _DM), lambda g: (0, 0)),
            pl.BlockSpec((1, 3 * _DM), lambda g: (0, 0)),
        ],
        out_specs=[
            pl.BlockSpec((B, _L, T), lambda g: (0, 0, 0)),
            pl.BlockSpec((B, _L + 1, _DM), lambda g: (0, 0, 0)),
        ],
        out_shape=[
            jax.ShapeDtypeStruct((B, _L, T), jnp.float32),
            jax.ShapeDtypeStruct((B, _L + 1, _DM), jnp.float32),
        ],
    )(x2d, fb3, W_u, bu2, W_k, bk2, W_q, bq2, pos2, W_z, W_ih, bih2,
      W_hh, bhh2)

    tokens, ystar3 = pl.pallas_call(
        _combine_body,
        grid=(B,),
        in_specs=[
            pl.BlockSpec((1, _L, T), lambda b: (b, 0, 0)),
            pl.BlockSpec((1, T, _KL), lambda b: (b, 0, 0)),
            pl.BlockSpec((1, T, _PW), lambda b: (b, 0, 0)),
            pl.BlockSpec((_KL, DMODEL), lambda b: (0, 0)),
            pl.BlockSpec((1, DMODEL), lambda b: (0, 0)),
        ],
        out_specs=[
            pl.BlockSpec((1, _L, DMODEL), lambda b: (b, 0, 0)),
            pl.BlockSpec((1, 1, T), lambda b: (b, 0, 0)),
        ],
        out_shape=[
            jax.ShapeDtypeStruct((B, _L, DMODEL), jnp.float32),
            jax.ShapeDtypeStruct((B, 1, T), jnp.float32),
        ],
    )(all_y, F, nb, W_proj, bp2)

    return tokens, ystar3.reshape(B, T), all_y, all_memory

# --- scband reference (transcript-rebuilt; emitter-appended) ---
"""Pipeline reference for scband-z4-topological-encoder-10453950398820 (READ-ONLY COPY).

The authoritative reference and input builder live on the scoring server;
editing this copy changes nothing except your own understanding.
"""

import jax, jax.numpy as jnp
import numpy as np

INPUT_DIM = 768
D_MODEL = 1024
D_U = 128
D_A = 64
D_M = 128
K_LIFT = 32
L_STAGES = 16
R = 4
COV_GAMMA = 1.0
TEMP = 1.0
FB_DIM = 1
MAX_SEQ = 2048
ANCHOR_DIM = 2 * INPUT_DIM + 2
B, T = 2, 2048


def setup_inputs(seed=0):
    key = jax.random.key(seed)
    ks = jax.random.split(key, 16)

    def init(k, shape, fan):
        return (jax.random.normal(k, shape, jnp.float32) / np.sqrt(fan)).astype(jnp.float32)

    inp = {}
    inp['x'] = jax.random.normal(ks[0], (B, T, INPUT_DIM), jnp.float32)
    inp['feedback'] = jax.random.normal(ks[1], (B, FB_DIM), jnp.float32)
    inp['W_u'] = init(ks[2], (INPUT_DIM, D_U), INPUT_DIM)
    inp['b_u'] = jnp.zeros((D_U,), jnp.float32)
    inp['W_q'] = init(ks[3], (D_M, D_A), D_M)
    inp['b_q'] = jnp.zeros((D_A,), jnp.float32)
    inp['W_k'] = init(ks[4], (D_U, D_A), D_U)
    inp['b_k'] = jnp.zeros((D_A,), jnp.float32)
    inp['pos_bias'] = 0.02 * jax.random.normal(ks[5], (MAX_SEQ,), jnp.float32)
    inp['W_z'] = init(ks[6], (INPUT_DIM, D_M), INPUT_DIM)
    inp['W_ih'] = init(ks[7], (D_M + FB_DIM, 3 * D_M), D_M + FB_DIM)
    inp['W_hh'] = init(ks[8], (D_M, 3 * D_M), D_M)
    inp['b_ih'] = jnp.zeros((3 * D_M,), jnp.float32)
    inp['b_hh'] = jnp.zeros((3 * D_M,), jnp.float32)
    inp['lift_mu'] = jnp.zeros((ANCHOR_DIM,), jnp.float32)
    inp['lift_sigma'] = jnp.ones((ANCHOR_DIM,), jnp.float32)
    inp['W_lift'] = init(ks[9], (ANCHOR_DIM, K_LIFT), ANCHOR_DIM)
    inp['b_lift'] = jnp.zeros((K_LIFT,), jnp.float32)
    inp['W_proj'] = init(ks[10], (K_LIFT, D_MODEL), K_LIFT)
    inp['b_proj'] = jnp.zeros((D_MODEL,), jnp.float32)
    return inp


def _gru_cell(inp, h, W_ih, W_hh, b_ih, b_hh):
    gi = inp @ W_ih + b_ih
    gh = h @ W_hh + b_hh
    i_r, i_z, i_n = jnp.split(gi, 3, axis=-1)
    h_r, h_z, h_n = jnp.split(gh, 3, axis=-1)
    r = jax.nn.sigmoid(i_r + h_r)
    z = jax.nn.sigmoid(i_z + h_z)
    n = jnp.tanh(i_n + r * h_n)
    return (1.0 - z) * n + z * h


def _forward(x, feedback, W_u, b_u, W_q, b_q, W_k, b_k, pos_bias, W_z,
             W_ih, W_hh, b_ih, b_hh, lift_mu, lift_sigma, W_lift, b_lift,
             W_proj, b_proj):
    Bx, Tx, D = x.shape
    # ---- HistoryAwareAnchorRouter (soft mode, hard=False) ----
    u = jnp.tanh(x @ W_u + b_u)                       # [B,T,d_u]
    keys = u @ W_k + b_k                              # [B,T,d_a]
    sq = jnp.sum(x * x, axis=-1)                      # [B,T]
    d2 = sq[:, :, None] + sq[:, None, :] - 2.0 * jnp.einsum('btd,bsd->bts', x, x)
    d2 = jnp.maximum(d2, 0.0)                         # geometry cache [B,T,T]
    m = jnp.zeros((Bx, D_M), jnp.float32)
    cov = jnp.zeros((Bx, Tx), jnp.float32)
    ys = []
    mems = [m]
    for _ in range(L_STAGES):
        q = jnp.tanh(m @ W_q + b_q)                   # [B,d_a]
        scores = jnp.einsum('bta,ba->bt', keys, q) / np.sqrt(D_A)
        scores = scores + pos_bias[:Tx][None, :] - COV_GAMMA * cov
        y = jax.nn.softmax(scores / TEMP, axis=-1)    # [B,T] stage routing weights
        z = jnp.einsum('bt,btd->bd', y, x)            # soft anchor [B,input_dim]
        gin = jnp.concatenate([jnp.tanh(z @ W_z), feedback], axis=-1)
        m = _gru_cell(gin, m, W_ih, W_hh, b_ih, b_hh)
        cov = cov + y                                 # coverage bias
        ys.append(y)
        mems.append(m)
    all_y = jnp.stack(ys, axis=1)                     # [B,L,T]
    all_memory = jnp.stack(mems, axis=1)              # [B,L+1,d_m]
    y_star = all_y.mean(axis=1)                       # [B,T]
    # ---- build_static_structural_features (knn_k = max(1, r)) ----
    knn_k = max(1, R)
    neg = -(d2 + 1e9 * jnp.eye(Tx, dtype=jnp.float32)[None, :, :])
    knn_d2, knn_idx = jax.lax.top_k(neg, knn_k)       # [B,T,k]
    nb = jax.vmap(lambda xb, ib: xb[ib])(x, knn_idx)  # gather neighbors [B,T,k,D]
    knn_mean = nb.mean(axis=2)                        # [B,T,D]
    norm = jnp.linalg.norm(x, axis=-1, keepdims=True) # [B,T,1]
    knn_dist = jnp.sqrt(jnp.maximum(-knn_d2, 0.0)).mean(axis=-1, keepdims=True)
    dense_vectors = jnp.concatenate([x, knn_mean, norm, knn_dist], axis=-1)
    # ---- NormalizedLift ----
    vn = (dense_vectors - lift_mu) / lift_sigma
    dense_lifted = jnp.tanh(vn @ W_lift + b_lift)     # [B,T,k_lift]
    # ---- stage-weighted cloud -> tokens ----
    stage_mass = jnp.clip(all_y.sum(axis=-1, keepdims=True), 1e-6, None)
    cloud = jnp.einsum('blt,btk->blk', all_y, dense_lifted) / stage_mass
    tokens = cloud @ W_proj + b_proj                  # [B,L,d_model]
    return tokens, y_star, all_y, all_memory


def reference(x, feedback, W_u, b_u, W_q, b_q, W_k, b_k, pos_bias, W_z,
              W_ih, W_hh, b_ih, b_hh, lift_mu, lift_sigma, W_lift, b_lift,
              W_proj, b_proj):
    return _forward(
        x, feedback, W_u, b_u, W_q, b_q,
        W_k, b_k, pos_bias, W_z, W_ih, W_hh,
        b_ih, b_hh, lift_mu, lift_sigma, W_lift,
        b_lift, W_proj, b_proj)

if __name__ == "__main__":
    import jax
    _d = setup_inputs()
    print(jax.jit(kernel)(*tuple(_d.values())))

</pallas_src>

<mosaic_0001>
#map = affine_map<(d0, d1) -> (0, 0)>
#map1 = affine_map<(d0, d1) -> (0)>
module attributes {stable_mosaic.version = 14 : i64} {
  func.func @gather_k(%arg0: i32, %arg1: i32, %arg2: memref<4096x128xf32, #tpu.memory_space<hbm>>, %arg3: memref<16384xi32, #tpu.memory_space<hbm>>, %arg4: memref<4096x128xf32, #tpu.memory_space<hbm>>, %arg5: memref<512xi32, #tpu.memory_space<vmem>>, %arg6: memref<512x128xf32, #tpu.memory_space<vmem>>, %arg7: memref<128x128xf32, #tpu.memory_space<vmem>>, %arg8: memref<!tpu.dma_semaphore, #tpu.memory_space<semaphore_mem>>) attributes {dimension_semantics = [#tpu.dimension_semantics<core_parallel>, #tpu.dimension_semantics<subcore_parallel>], iteration_bounds = array<i64: 2, 16>, scalar_prefetch = 0 : i64, scratch_operands = 4 : i64, tpu.core_type = #tpu.core_type<sc_vector_subcore>, window_params = [{transform_indices = #map}, {transform_indices = #map1}, {transform_indices = #map}]} {
    %mul3A = arith.constant 2 : i32
    %mul3A_0 = arith.muli %arg1, %mul3A : i32
    %add3A = arith.addi %mul3A_0, %arg0 : i32
    %mul3A_1 = arith.constant 512 : i32
    %mul3A_2 = arith.muli %add3A, %mul3A_1 : i32
    "tpu.region"() ({
      %run_scoped3A = tpu.sem_alloc : memref<!tpu.dma_semaphore, #tpu.memory_space<semaphore_mem>>
      %dma_start3A_15 = tpu.memref_slice %arg3[%mul3A_2] : memref<16384xi32, #tpu.memory_space<hbm>> -> memref<512xi32, #tpu.memory_space<hbm>>
      %dma_start3A_16 = tpu.memref_slice %arg3[%mul3A_2] : memref<16384xi32, #tpu.memory_space<hbm>> -> memref<512xi32, #tpu.memory_space<hbm>>
      tpu.enqueue_dma source(%dma_start3A_16 : memref<512xi32, #tpu.memory_space<hbm>>) target(%arg5 : memref<512xi32, #tpu.memory_space<vmem>>) target_semaphore(%run_scoped3A : memref<!tpu.dma_semaphore, #tpu.memory_space<semaphore_mem>>)
      %dma_wait3A_17 = tpu.memref_slice %arg3[%mul3A_2] : memref<16384xi32, #tpu.memory_space<hbm>> -> memref<512xi32, #tpu.memory_space<hbm>>
      %dma_wait3A_18 = tpu.memref_slice %arg3[%mul3A_2] : memref<16384xi32, #tpu.memory_space<hbm>> -> memref<512xi32, #tpu.memory_space<hbm>>
      tpu.wait_dma2 semaphore(%run_scoped3A : memref<!tpu.dma_semaphore, #tpu.memory_space<semaphore_mem>>) src(%dma_wait3A_18 : memref<512xi32, #tpu.memory_space<hbm>>) dst(%arg5 : memref<512xi32, #tpu.memory_space<vmem>>)
      tpu.yield
    }) : () -> ()
    %dma_start3A = arith.constant 0 : i32
    %dma_start3A_3 = arith.constant 0 : i32
    %dma_start3A_4 = tpu.memref_slice %arg2[%dma_start3A, %dma_start3A_3] : memref<4096x128xf32, #tpu.memory_space<hbm>> -> memref<4096x128xf32, #tpu.memory_space<hbm>>
    tpu.enqueue_indirect_dma source(%dma_start3A_4 : memref<4096x128xf32, #tpu.memory_space<hbm>>) target(%arg6 : memref<512x128xf32, #tpu.memory_space<vmem>>) offsets(%arg5 : memref<512xi32, #tpu.memory_space<vmem>>) semaphore(%arg8 : memref<!tpu.dma_semaphore, #tpu.memory_space<semaphore_mem>>)
    %dma_wait3A = arith.constant 0 : i32
    %dma_wait3A_5 = arith.constant 0 : i32
    %dma_wait3A_6 = tpu.memref_slice %arg2[%dma_wait3A, %dma_wait3A_5] : memref<4096x128xf32, #tpu.memory_space<hbm>> -> memref<4096x128xf32, #tpu.memory_space<hbm>>
    tpu.wait_indirect_dma semaphore(%arg8 : memref<!tpu.dma_semaphore, #tpu.memory_space<semaphore_mem>>) src(%dma_wait3A_6 : memref<4096x128xf32, #tpu.memory_space<hbm>>) dst(%arg6 : memref<512x128xf32, #tpu.memory_space<vmem>>)
    %scan3A = arith.constant 0 : i32
    %scan3A_7 = arith.constant 0 : i32
    %scan3A_8 = arith.constant 128 : i32
    %scan3A_9 = arith.addi %scan3A_7, %scan3A_8 : i32
    %scan3A_10 = arith.constant 1 : i32
    %scan3A_11 = scf.for %scan3A_15 = %scan3A_7 to %scan3A_9 step %scan3A_10 iter_args(%scan3A_16 = %scan3A) -> (i32)  : i32 {
      %mul3A_17 = arith.constant 4 : i32
      %mul3A_18 = arith.muli %mul3A_17, %scan3A_15 : i32
      %get3A = arith.index_cast %mul3A_18 : i32 to index
      %get3A_19 = arith.constant 0 : index
      %get3A_20 = tpu.vector_load %arg6[%get3A, %get3A_19] {strides = array<i32>} : memref<512x128xf32, #tpu.memory_space<vmem>>, vector<1x16xf32>,
      %get3A_21 = vector.shape_cast %get3A_20 : vector<1x16xf32> to vector<16xf32>
      %mul3A_22 = arith.constant 4 : i32
      %mul3A_23 = arith.muli %mul3A_22, %scan3A_15 : i32
      %add3A_24 = arith.constant 1 : i32
      %add3A_25 = arith.addi %mul3A_23, %add3A_24 : i32
      %get3A_26 = arith.index_cast %add3A_25 : i32 to index
      %get3A_27 = arith.constant 0 : index
      %get3A_28 = tpu.vector_load %arg6[%get3A_26, %get3A_27] {strides = array<i32>} : memref<512x128xf32, #tpu.memory_space<vmem>>, vector<1x16xf32>,
      %get3A_29 = vector.shape_cast %get3A_28 : vector<1x16xf32> to vector<16xf32>
      %add3A_30 = arith.addf %get3A_21, %get3A_29 : vector<16xf32>
      %mul3A_31 = arith.constant 4 : i32
      %mul3A_32 = arith.muli %mul3A_31, %scan3A_15 : i32
      %add3A_33 = arith.constant 2 : i32
      %add3A_34 = arith.addi %mul3A_32, %add3A_33 : i32
      %get3A_35 = arith.index_cast %add3A_34 : i32 to index
      %get3A_36 = arith.constant 0 : index
      %get3A_37 = tpu.vector_load %arg6[%get3A_35, %get3A_36] {strides = array<i32>} : memref<512x128xf32, #tpu.memory_space<vmem>>, vector<1x16xf32>,
      %get3A_38 = vector.shape_cast %get3A_37 : vector<1x16xf32> to vector<16xf32>
      %add3A_39 = arith.addf %add3A_30, %get3A_38 : vector<16xf32>
      %mul3A_40 = arith.constant 4 : i32
      %mul3A_41 = arith.muli %mul3A_40, %scan3A_15 : i32
      %add3A_42 = arith.constant 3 : i32
      %add3A_43 = arith.addi %mul3A_41, %add3A_42 : i32
      %get3A_44 = arith.index_cast %add3A_43 : i32 to index
      %get3A_45 = arith.constant 0 : index
      %get3A_46 = tpu.vector_load %arg6[%get3A_44, %get3A_45] {strides = array<i32>} : memref<512x128xf32, #tpu.memory_space<vmem>>, vector<1x16xf32>,
      %get3A_47 = vector.shape_cast %get3A_46 : vector<1x16xf32> to vector<16xf32>
      %add3A_48 = arith.addf %add3A_39, %get3A_47 : vector<16xf32>
      %swap3A = arith.index_cast %scan3A_15 : i32 to index
      %swap3A_49 = arith.constant 0 : index
      %swap3A_50 = tpu.vector_load %arg7[%swap3A, %swap3A_49] {strides = array<i32>} : memref<128x128xf32, #tpu.memory_space<vmem>>, vector<1x16xf32>,
      %swap3A_51 = vector.shape_cast %swap3A_50 : vector<1x16xf32> to vector<16xf32>
      %swap3A_52 = vector.shape_cast %add3A_48 : vector<16xf32> to vector<1x16xf32>
      tpu.vector_store %arg7[%swap3A, %swap3A_49], %swap3A_52 {strides = array<i32>} : memref<128x128xf32, #tpu.memory_space<vmem>>, vector<1x16xf32>,
      %mul3A_53 = arith.constant 4 : i32
      %mul3A_54 = arith.muli %mul3A_53, %scan3A_15 : i32
      %get3A_55 = arith.index_cast %mul3A_54 : i32 to index
      %get3A_56 = arith.constant 16 : index
      %get3A_57 = tpu.vector_load %arg6[%get3A_55, %get3A_56] {strides = array<i32>} : memref<512x128xf32, #tpu.memory_space<vmem>>, vector<1x16xf32>,
      %get3A_58 = vector.shape_cast %get3A_57 : vector<1x16xf32> to vector<16xf32>
      %mul3A_59 = arith.constant 4 : i32
      %mul3A_60 = arith.muli %mul3A_59, %scan3A_15 : i32
      %add3A_61 = arith.constant 1 : i32
      %add3A_62 = arith.addi %mul3A_60, %add3A_61 : i32
      %get3A_63 = arith.index_cast %add3A_62 : i32 to index
      %get3A_64 = arith.constant 16 : index
      %get3A_65 = tpu.vector_load %arg6[%get3A_63, %get3A_64] {strides = array<i32>} : memref<512x128xf32, #tpu.memory_space<vmem>>, vector<1x16xf32>,
      %get3A_66 = vector.shape_cast %get3A_65 : vector<1x16xf32> to vector<16xf32>
      %add3A_67 = arith.addf %get3A_58, %get3A_66 : vector<16xf32>
      %mul3A_68 = arith.constant 4 : i32
      %mul3A_69 = arith.muli %mul3A_68, %scan3A_15 : i32
      %add3A_70 = arith.constant 2 : i32
      %add3A_71 = arith.addi %mul3A_69, %add3A_70 : i32
      %get3A_72 = arith.index_cast %add3A_71 : i32 to index
      %get3A_73 = arith.constant 16 : index
      %get3A_74 = tpu.vector_load %arg6[%get3A_72, %get3A_73] {strides = array<i32>} : memref<512x128xf32, #tpu.memory_space<vmem>>, vector<1x16xf32>,
      %get3A_75 = vector.shape_cast %get3A_74 : vector<1x16xf32> to vector<16xf32>
      %add3A_76 = arith.addf %add3A_67, %get3A_75 : vector<16xf32>
      %mul3A_77 = arith.constant 4 : i32
      %mul3A_78 = arith.muli %mul3A_77, %scan3A_15 : i32
      %add3A_79 = arith.constant 3 : i32
      %add3A_80 = arith.addi %mul3A_78, %add3A_79 : i32
      %get3A_81 = arith.index_cast %add3A_80 : i32 to index
      %get3A_82 = arith.constant 16 : index
      %get3A_83 = tpu.vector_load %arg6[%get3A_81, %get3A_82] {strides = array<i32>} : memref<512x128xf32, #tpu.memory_space<vmem>>, vector<1x16xf32>,
      %get3A_84 = vector.shape_cast %get3A_83 : vector<1x16xf32> to vector<16xf32>
      %add3A_85 = arith.addf %add3A_76, %get3A_84 : vector<16xf32>
      %swap3A_86 = arith.index_cast %scan3A_15 : i32 to index
      %swap3A_87 = arith.constant 16 : index
      %swap3A_88 = tpu.vector_load %arg7[%swap3A_86, %swap3A_87] {strides = array<i32>} : memref<128x128xf32, #tpu.memory_space<vmem>>, vector<1x16xf32>,
      %swap3A_89 = vector.shape_cast %swap3A_88 : vector<1x16xf32> to vector<16xf32>
      %swap3A_90 = vector.shape_cast %add3A_85 : vector<16xf32> to vector<1x16xf32>
      tpu.vector_store %arg7[%swap3A_86, %swap3A_87], %swap3A_90 {strides = array<i32>} : memref<128x128xf32, #tpu.memory_space<vmem>>, vector<1x16xf32>,
      %scan3A_91 = arith.constant 0 : i32
      scf.yield %scan3A_91 : i32
    }
    %scan3A_12 = arith.constant 128 : i32
    %mul3A_13 = arith.constant 128 : i32
    %mul3A_14 = arith.muli %add3A, %mul3A_13 : i32
    "tpu.region"() ({
      %run_scoped3A = tpu.sem_alloc : memref<!tpu.dma_semaphore, #tpu.memory_space<semaphore_mem>>
      %dma_start3A_15 = arith.constant 0 : i32
      %dma_start3A_16 = tpu.memref_slice %arg4[%mul3A_14, %dma_start3A_15] : memref<4096x128xf32, #tpu.memory_space<hbm>> -> memref<128x128xf32, #tpu.memory_space<hbm>>
      %dma_start3A_17 = arith.constant 0 : i32
      %dma_start3A_18 = tpu.memref_slice %arg4[%mul3A_14, %dma_start3A_17] : memref<4096x128xf32, #tpu.memory_space<hbm>> -> memref<128x128xf32, #tpu.memory_space<hbm>>
      tpu.enqueue_dma source(%arg7 : memref<128x128xf32, #tpu.memory_space<vmem>>) target(%dma_start3A_18 : memref<128x128xf32, #tpu.memory_space<hbm>>) target_semaphore(%run_scoped3A : memref<!tpu.dma_semaphore, #tpu.memory_space<semaphore_mem>>)
      %dma_wait3A_19 = arith.constant 0 : i32
      %dma_wait3A_20 = tpu.memref_slice %arg4[%mul3A_14, %dma_wait3A_19] : memref<4096x128xf32, #tpu.memory_space<hbm>> -> memref<128x128xf32, #tpu.memory_space<hbm>>
      %dma_wait3A_21 = arith.constant 0 : i32
      %dma_wait3A_22 = tpu.memref_slice %arg4[%mul3A_14, %dma_wait3A_21] : memref<4096x128xf32, #tpu.memory_space<hbm>> -> memref<128x128xf32, #tpu.memory_space<hbm>>
      tpu.wait_dma2 semaphore(%run_scoped3A : memref<!tpu.dma_semaphore, #tpu.memory_space<semaphore_mem>>) src(%arg7 : memref<128x128xf32, #tpu.memory_space<vmem>>) dst(%dma_wait3A_22 : memref<128x128xf32, #tpu.memory_space<hbm>>)
      tpu.yield
    }) : () -> ()
    return
  }
}

module attributes {stable_mosaic.version = 14 : i64} {
  func.func @_router_body(%arg0: i32, %arg1: memref<4096x768xf32, #tpu.memory_space<vmem>>, %arg2: memref<2x1x1xf32, #tpu.memory_space<vmem>>, %arg3: memref<768x128xf32, #tpu.memory_space<vmem>>, %arg4: memref<1x128xf32, #tpu.memory_space<vmem>>, %arg5: memref<128x64xf32, #tpu.memory_space<vmem>>, %arg6: memref<1x64xf32, #tpu.memory_space<vmem>>, %arg7: memref<128x64xf32, #tpu.memory_space<vmem>>, %arg8: memref<1x64xf32, #tpu.memory_space<vmem>>, %arg9: memref<1x2048xf32, #tpu.memory_space<vmem>>, %arg10: memref<768x128xf32, #tpu.memory_space<vmem>>, %arg11: memref<129x384xf32, #tpu.memory_space<vmem>>, %arg12: memref<1x384xf32, #tpu.memory_space<vmem>>, %arg13: memref<128x384xf32, #tpu.memory_space<vmem>>, %arg14: memref<1x384xf32, #tpu.memory_space<vmem>>, %arg15: memref<2x16x2048xf32, #tpu.memory_space<vmem>>, %arg16: memref<2x17x128xf32, #tpu.memory_space<vmem>>) attributes {dimension_semantics = [#tpu.dimension_semantics<arbitrary>], iteration_bounds = array<i64: 1>, scalar_prefetch = 0 : i64, scratch_operands = 0 : i64, tpu.core_type = #tpu.core_type<tc>, window_params = [{pipeline_mode = #tpu.pipeline_mode<synchronous>, transform_indices = @transform_0, window_bounds = array<i64: 4096, 768>}, {pipeline_mode = #tpu.pipeline_mode<synchronous>, transform_indices = @transform_1, window_bounds = array<i64: 2, 1, 1>}, {pipeline_mode = #tpu.pipeline_mode<synchronous>, transform_indices = @transform_2, window_bounds = array<i64: 768, 128>}, {pipeline_mode = #tpu.pipeline_mode<synchronous>, transform_indices = @transform_3, window_bounds = array<i64: 1, 128>}, {pipeline_mode = #tpu.pipeline_mode<synchronous>, transform_indices = @transform_4, window_bounds = array<i64: 128, 64>}, {pipeline_mode = #tpu.pipeline_mode<synchronous>, transform_indices = @transform_5, window_bounds = array<i64: 1, 64>}, {pipeline_mode = #tpu.pipeline_mode<synchronous>, transform_indices = @transform_6, window_bounds = array<i64: 128, 64>}, {pipeline_mode = #tpu.pipeline_mode<synchronous>, transform_indices = @transform_7, window_bounds = array<i64: 1, 64>}, {pipeline_mode = #tpu.pipeline_mode<synchronous>, transform_indices = @transform_8, window_bounds = array<i64: 1, 2048>}, {pipeline_mode = #tpu.pipeline_mode<synchronous>, transform_indices = @transform_9, window_bounds = array<i64: 768, 128>}, {pipeline_mode = #tpu.pipeline_mode<synchronous>, transform_indices = @transform_10, window_bounds = array<i64: 129, 384>}, {pipeline_mode = #tpu.pipeline_mode<synchronous>, transform_indices = @transform_11, window_bounds = array<i64: 1, 384>}, {pipeline_mode = #tpu.pipeline_mode<synchronous>, transform_indices = @transform_12, window_bounds = array<i64: 128, 384>}, {pipeline_mode = #tpu.pipeline_mode<synchronous>, transform_indices = @transform_13, window_bounds = array<i64: 1, 384>}, {pipeline_mode = #tpu.pipeline_mode<synchronous>, transform_indices = @transform_14, window_bounds = array<i64: 2, 16, 2048>}, {pipeline_mode = #tpu.pipeline_mode<synchronous>, transform_indices = @transform_15, window_bounds = array<i64: 2, 17, 128>}]} {
    %get3A = arith.constant 0 : index
    %get3A_0 = arith.constant 0 : index
    %get3A_1 = vector.load %arg1[%get3A, %get3A_0] : memref<4096x768xf32, #tpu.memory_space<vmem>>, vector<4096x768xf32>
    %get3A_2 = arith.constant 0 : index
    %get3A_3 = arith.constant 0 : index
    %get3A_4 = vector.load %arg3[%get3A_2, %get3A_3] : memref<768x128xf32, #tpu.memory_space<vmem>>, vector<768x128xf32>
    %dot_general3A = arith.constant dense<0.000000e+00> : vector<4096x128xf32>
    %dot_general3A_5 = tpu.matmul %get3A_1, %get3A_4, %dot_general3A {dimension_numbers = #tpu.dot_dimension_numbers<[1], [0], [0], [1], [0, 0, 1, 1], [], []>, transpose_lhs_hint = false} : vector<4096x768xf32>, vector<768x128xf32>, vector<4096x128xf32> -> vector<4096x128xf32>
    %get3A_6 = arith.constant 0 : index
    %get3A_7 = arith.constant 0 : index
    %get3A_8 = vector.load %arg4[%get3A_6, %get3A_7] : memref<1x128xf32, #tpu.memory_space<vmem>>, vector<1x128xf32>
    %add3A = vector.broadcast %get3A_8 : vector<1x128xf32> to vector<4096x128xf32>
    %add3A_9 = arith.addf %dot_general3A_5, %add3A : vector<4096x128xf32>
    %tanh3A = math.tanh %add3A_9 : vector<4096x128xf32>
    %get3A_10 = arith.constant 0 : index
    %get3A_11 = arith.constant 0 : index
    %get3A_12 = vector.load %arg5[%get3A_10, %get3A_11] : memref<128x64xf32, #tpu.memory_space<vmem>>, vector<128x64xf32>
    %dot_general3A_13 = arith.constant dense<0.000000e+00> : vector<4096x64xf32>
    %dot_general3A_14 = tpu.matmul %tanh3A, %get3A_12, %dot_general3A_13 {dimension_numbers = #tpu.dot_dimension_numbers<[1], [0], [0], [1], [0, 0, 1, 1], [], []>, transpose_lhs_hint = false} : vector<4096x128xf32>, vector<128x64xf32>, vector<4096x64xf32> -> vector<4096x64xf32>
    %get3A_15 = arith.constant 0 : index
    %get3A_16 = arith.constant 0 : index
    %get3A_17 = vector.load %arg6[%get3A_15, %get3A_16] : memref<1x64xf32, #tpu.memory_space<vmem>>, vector<1x64xf32>
    %add3A_18 = vector.broadcast %get3A_17 : vector<1x64xf32> to vector<4096x64xf32>
    %add3A_19 = arith.addf %dot_general3A_14, %add3A_18 : vector<4096x64xf32>
    %slice3A = vector.extract_strided_slice %add3A_19 {offsets = [0, 0], sizes = [2048, 64], strides = [1, 1]} : vector<4096x64xf32> to vector<2048x64xf32>
    %transpose3A = tpu.transpose %slice3A, [1, 0] : vector<2048x64xf32> -> vector<64x2048xf32>
    %slice3A_20 = vector.extract_strided_slice %add3A_19 {offsets = [2048, 0], sizes = [2048, 64], strides = [1, 1]} : vector<4096x64xf32> to vector<2048x64xf32>
    %transpose3A_21 = tpu.transpose %slice3A_20, [1, 0] : vector<2048x64xf32> -> vector<64x2048xf32>
    %get3A_22 = arith.constant 0 : index
    %get3A_23 = arith.constant 0 : index
    %get3A_24 = arith.constant 0 : index
    %get3A_25 = vector.load %arg2[%get3A_22, %get3A_23, %get3A_24] : memref<2x1x1xf32, #tpu.memory_space<vmem>>, vector<2x1x1xf32>
    %reshape3A = vector.shape_cast %get3A_25 : vector<2x1x1xf32> to vector<2x1xf32>
    %get3A_26 = arith.constant 0 : index
    %get3A_27 = arith.constant 0 : index
    %get3A_28 = vector.load %arg11[%get3A_26, %get3A_27] : memref<129x384xf32, #tpu.memory_space<vmem>>, vector<128x384xf32>
    %get3A_29 = arith.constant 128 : index
    %get3A_30 = arith.constant 0 : index
    %get3A_31 = vector.load %arg11[%get3A_29, %get3A_30] : memref<129x384xf32, #tpu.memory_space<vmem>>, vector<1x384xf32>
    %mul3A = vector.broadcast %reshape3A : vector<2x1xf32> to vector<2x384xf32>
    %mul3A_32 = vector.broadcast %get3A_31 : vector<1x384xf32> to vector<2x384xf32>
    %mul3A_33 = arith.mulf %mul3A, %mul3A_32 : vector<2x384xf32>
    %get3A_34 = arith.constant 0 : index
    %get3A_35 = arith.constant 0 : index
    %get3A_36 = vector.load %arg12[%get3A_34, %get3A_35] : memref<1x384xf32, #tpu.memory_space<vmem>>, vector<1x384xf32>
    %add3A_37 = vector.broadcast %get3A_36 : vector<1x384xf32> to vector<2x384xf32>
    %add3A_38 = arith.addf %mul3A_33, %add3A_37 : vector<2x384xf32>
    %get3A_39 = arith.constant 0 : index
    %get3A_40 = arith.constant 0 : index
    %get3A_41 = vector.load %arg9[%get3A_39, %get3A_40] : memref<1x2048xf32, #tpu.memory_space<vmem>>, vector<1x2048xf32>
    %broadcast_in_dim3A = arith.constant 0.000000e+00 : f32
    %broadcast_in_dim3A_42 = vector.broadcast %broadcast_in_dim3A : f32 to vector<2x1x128xf32>
    %swap3A = arith.constant 0 : index
    %swap3A_43 = arith.constant 0 : index
    %swap3A_44 = arith.constant 0 : index
    %swap3A_45 = vector.load %arg16[%swap3A, %swap3A_43, %swap3A_44] : memref<2x17x128xf32, #tpu.memory_space<vmem>>, vector<2x1x128xf32>
    tpu.vector_store %arg16[%swap3A, %swap3A_43, %swap3A_44], %broadcast_in_dim3A_42 {strides = array<i32>} : memref<2x17x128xf32, #tpu.memory_space<vmem>>, vector<2x1x128xf32>,
    %broadcast_in_dim3A_46 = arith.constant 0.000000e+00 : f32
    %broadcast_in_dim3A_47 = vector.broadcast %broadcast_in_dim3A_46 : f32 to vector<2x128xf32>
    %broadcast_in_dim3A_48 = arith.constant 0.000000e+00 : f32
    %broadcast_in_dim3A_49 = vector.broadcast %broadcast_in_dim3A_48 : f32 to vector<2x2048xf32>
    %scan3A = arith.constant 0 : i32
    %scan3A_50 = arith.constant 16 : i32
    %scan3A_51 = arith.addi %scan3A, %scan3A_50 : i32
    %scan3A_52 = arith.constant 1 : i32
    %scan3A_53:2 = scf.for %scan3A_55 = %scan3A to %scan3A_51 step %scan3A_52 iter_args(%scan3A_56 = %broadcast_in_dim3A_47, %scan3A_57 = %broadcast_in_dim3A_49) -> (vector<2x128xf32>, vector<2x2048xf32>)  : i32 {
      %get3A_58 = arith.constant 0 : index
      %get3A_59 = arith.constant 0 : index
      %get3A_60 = vector.load %arg7[%get3A_58, %get3A_59] : memref<128x64xf32, #tpu.memory_space<vmem>>, vector<128x64xf32>
      %dot_general3A_61 = arith.constant dense<0.000000e+00> : vector<2x64xf32>
      %dot_general3A_62 = tpu.matmul %scan3A_56, %get3A_60, %dot_general3A_61 {dimension_numbers = #tpu.dot_dimension_numbers<[1], [0], [0], [1], [0, 0, 1, 1], [], []>, transpose_lhs_hint = false} : vector<2x128xf32>, vector<128x64xf32>, vector<2x64xf32> -> vector<2x64xf32>
      %get3A_63 = arith.constant 0 : index
      %get3A_64 = arith.constant 0 : index
      %get3A_65 = vector.load %arg8[%get3A_63, %get3A_64] : memref<1x64xf32, #tpu.memory_space<vmem>>, vector<1x64xf32>
      %add3A_66 = vector.broadcast %get3A_65 : vector<1x64xf32> to vector<2x64xf32>
      %add3A_67 = arith.addf %dot_general3A_62, %add3A_66 : vector<2x64xf32>
      %tanh3A_68 = math.tanh %add3A_67 : vector<2x64xf32>
      %slice3A_69 = vector.extract_strided_slice %tanh3A_68 {offsets = [0, 0], sizes = [1, 64], strides = [1, 1]} : vector<2x64xf32> to vector<1x64xf32>
      %dot_general3A_70 = arith.constant dense<0.000000e+00> : vector<1x2048xf32>
      %dot_general3A_71 = tpu.matmul %slice3A_69, %transpose3A, %dot_general3A_70 {dimension_numbers = #tpu.dot_dimension_numbers<[1], [0], [0], [1], [0, 0, 1, 1], [], []>, transpose_lhs_hint = false} : vector<1x64xf32>, vector<64x2048xf32>, vector<1x2048xf32> -> vector<1x2048xf32>
      %slice3A_72 = vector.extract_strided_slice %tanh3A_68 {offsets = [1, 0], sizes = [1, 64], strides = [1, 1]} : vector<2x64xf32> to vector<1x64xf32>
      %dot_general3A_73 = arith.constant dense<0.000000e+00> : vector<1x2048xf32>
      %dot_general3A_74 = tpu.matmul %slice3A_72, %transpose3A_21, %dot_general3A_73 {dimension_numbers = #tpu.dot_dimension_numbers<[1], [0], [0], [1], [0, 0, 1, 1], [], []>, transpose_lhs_hint = false} : vector<1x64xf32>, vector<64x2048xf32>, vector<1x2048xf32> -> vector<1x2048xf32>
      %concatenate3A = tpu.concatenate %dot_general3A_71, %dot_general3A_74 in 0 : vector<1x2048xf32>, vector<1x2048xf32> -> vector<2x2048xf32>
      %mul3A_75 = arith.constant 1.250000e-01 : f32
      %mul3A_76 = vector.broadcast %mul3A_75 : f32 to vector<2x2048xf32>
      %mul3A_77 = arith.mulf %concatenate3A, %mul3A_76 : vector<2x2048xf32>
      %add3A_78 = vector.broadcast %get3A_41 : vector<1x2048xf32> to vector<2x2048xf32>
      %add3A_79 = arith.addf %mul3A_77, %add3A_78 : vector<2x2048xf32>
      %sub3A = arith.subf %add3A_79, %scan3A_57 : vector<2x2048xf32>
      %reduce_max3A = arith.constant dense<0xFF800000> : vector<2xf32>
      %reduce_max3A_80 = vector.multi_reduction <maximumf>, %sub3A, %reduce_max3A [1] : vector<2x2048xf32> to vector<2xf32>
      %broadcast_in_dim3A_81 = vector.shape_cast %reduce_max3A_80 : vector<2xf32> to vector<2x1xf32>
      %sub3A_82 = vector.broadcast %broadcast_in_dim3A_81 : vector<2x1xf32> to vector<2x2048xf32>
      %sub3A_83 = arith.subf %sub3A, %sub3A_82 : vector<2x2048xf32>
      %exp3A = math.exp %sub3A_83 : vector<2x2048xf32>
      %reduce_sum3A = arith.constant dense<0.000000e+00> : vector<2xf32>
      %reduce_sum3A_84 = vector.multi_reduction <add>, %exp3A, %reduce_sum3A [1] : vector<2x2048xf32> to vector<2xf32>
      %broadcast_in_dim3A_85 = vector.shape_cast %reduce_sum3A_84 : vector<2xf32> to vector<2x1xf32>
      %div3A = vector.broadcast %broadcast_in_dim3A_85 : vector<2x1xf32> to vector<2x2048xf32>
      %div3A_86 = arith.divf %exp3A, %div3A : vector<2x2048xf32>
      %slice3A_87 = vector.extract_strided_slice %div3A_86 {offsets = [0, 0], sizes = [1, 2048], strides = [1, 1]} : vector<2x2048xf32> to vector<1x2048xf32>
      %slice3A_88 = vector.extract_strided_slice %get3A_1 {offsets = [0, 0], sizes = [2048, 768], strides = [1, 1]} : vector<4096x768xf32> to vector<2048x768xf32>
      %dot_general3A_89 = arith.constant dense<0.000000e+00> : vector<1x768xf32>
      %dot_general3A_90 = tpu.matmul %slice3A_87, %slice3A_88, %dot_general3A_89 {dimension_numbers = #tpu.dot_dimension_numbers<[1], [0], [0], [1], [0, 0, 1, 1], [], []>, transpose_lhs_hint = false} : vector<1x2048xf32>, vector<2048x768xf32>, vector<1x768xf32> -> vector<1x768xf32>
      %slice3A_91 = vector.extract_strided_slice %div3A_86 {offsets = [1, 0], sizes = [1, 2048], strides = [1, 1]} : vector<2x2048xf32> to vector<1x2048xf32>
      %slice3A_92 = vector.extract_strided_slice %get3A_1 {offsets = [2048, 0], sizes = [2048, 768], strides = [1, 1]} : vector<4096x768xf32> to vector<2048x768xf32>
      %dot_general3A_93 = arith.constant dense<0.000000e+00> : vector<1x768xf32>
      %dot_general3A_94 = tpu.matmul %slice3A_91, %slice3A_92, %dot_general3A_93 {dimension_numbers = #tpu.dot_dimension_numbers<[1], [0], [0], [1], [0, 0, 1, 1], [], []>, transpose_lhs_hint = false} : vector<1x2048xf32>, vector<2048x768xf32>, vector<1x768xf32> -> vector<1x768xf32>
      %concatenate3A_95 = tpu.concatenate %dot_general3A_90, %dot_general3A_94 in 0 : vector<1x768xf32>, vector<1x768xf32> -> vector<2x768xf32>
      %get3A_96 = arith.constant 0 : index
      %get3A_97 = arith.constant 0 : index
      %get3A_98 = vector.load %arg10[%get3A_96, %get3A_97] : memref<768x128xf32, #tpu.memory_space<vmem>>, vector<768x128xf32>
      %dot_general3A_99 = arith.constant dense<0.000000e+00> : vector<2x128xf32>
      %dot_general3A_100 = tpu.matmul %concatenate3A_95, %get3A_98, %dot_general3A_99 {dimension_numbers = #tpu.dot_dimension_numbers<[1], [0], [0], [1], [0, 0, 1, 1], [], []>, transpose_lhs_hint = false} : vector<2x768xf32>, vector<768x128xf32>, vector<2x128xf32> -> vector<2x128xf32>
      %tanh3A_101 = math.tanh %dot_general3A_100 : vector<2x128xf32>
      %dot_general3A_102 = arith.constant dense<0.000000e+00> : vector<2x384xf32>
      %dot_general3A_103 = tpu.matmul %tanh3A_101, %get3A_28, %dot_general3A_102 {dimension_numbers = #tpu.dot_dimension_numbers<[1], [0], [0], [1], [0, 0, 1, 1], [], []>, transpose_lhs_hint = false} : vector<2x128xf32>, vector<128x384xf32>, vector<2x384xf32> -> vector<2x384xf32>
      %add3A_104 = arith.addf %dot_general3A_103, %add3A_38 : vector<2x384xf32>
      %get3A_105 = arith.constant 0 : index
      %get3A_106 = arith.constant 0 : index
      %get3A_107 = vector.load %arg13[%get3A_105, %get3A_106] : memref<128x384xf32, #tpu.memory_space<vmem>>, vector<128x384xf32>
      %dot_general3A_108 = arith.constant dense<0.000000e+00> : vector<2x384xf32>
      %dot_general3A_109 = tpu.matmul %scan3A_56, %get3A_107, %dot_general3A_108 {dimension_numbers = #tpu.dot_dimension_numbers<[1], [0], [0], [1], [0, 0, 1, 1], [], []>, transpose_lhs_hint = false} : vector<2x128xf32>, vector<128x384xf32>, vector<2x384xf32> -> vector<2x384xf32>
      %get3A_110 = arith.constant 0 : index
      %get3A_111 = arith.constant 0 : index
      %get3A_112 = vector.load %arg14[%get3A_110, %get3A_111] : memref<1x384xf32, #tpu.memory_space<vmem>>, vector<1x384xf32>
      %add3A_113 = vector.broadcast %get3A_112 : vector<1x384xf32> to vector<2x384xf32>
      %add3A_114 = arith.addf %dot_general3A_109, %add3A_113 : vector<2x384xf32>
      %slice3A_115 = vector.extract_strided_slice %add3A_104 {offsets = [0, 0], sizes = [2, 128], strides = [1, 1]} : vector<2x384xf32> to vector<2x128xf32>
      %slice3A_116 = vector.extract_strided_slice %add3A_114 {offsets = [0, 0], sizes = [2, 128], strides = [1, 1]} : vector<2x384xf32> to vector<2x128xf32>
      %add3A_117 = arith.addf %slice3A_115, %slice3A_116 : vector<2x128xf32>
      %logistic3A = arith.negf %add3A_117 : vector<2x128xf32>
      %logistic3A_118 = math.exp %logistic3A : vector<2x128xf32>
      %logistic3A_119 = arith.constant 1.000000e+00 : f32
      %logistic3A_120 = vector.broadcast %logistic3A_119 : f32 to vector<2x128xf32>
      %logistic3A_121 = arith.addf %logistic3A_120, %logistic3A_118 : vector<2x128xf32>
      %logistic3A_122 = arith.divf %logistic3A_120, %logistic3A_121 : vector<2x128xf32>
      %slice3A_123 = vector.extract_strided_slice %add3A_104 {offsets = [0, 128], sizes = [2, 128], strides = [1, 1]} : vector<2x384xf32> to vector<2x128xf32>
      %slice3A_124 = vector.extract_strided_slice %add3A_114 {offsets = [0, 128], sizes = [2, 128], strides = [1, 1]} : vector<2x384xf32> to vector<2x128xf32>
      %add3A_125 = arith.addf %slice3A_123, %slice3A_124 : vector<2x128xf32>
      %logistic3A_126 = arith.negf %add3A_125 : vector<2x128xf32>
      %logistic3A_127 = math.exp %logistic3A_126 : vector<2x128xf32>
      %logistic3A_128 = arith.constant 1.000000e+00 : f32
      %logistic3A_129 = vector.broadcast %logistic3A_128 : f32 to vector<2x128xf32>
      %logistic3A_130 = arith.addf %logistic3A_129, %logistic3A_127 : vector<2x128xf32>
      %logistic3A_131 = arith.divf %logistic3A_129, %logistic3A_130 : vector<2x128xf32>
      %slice3A_132 = vector.extract_strided_slice %add3A_104 {offsets = [0, 256], sizes = [2, 128], strides = [1, 1]} : vector<2x384xf32> to vector<2x128xf32>
      %slice3A_133 = vector.extract_strided_slice %add3A_114 {offsets = [0, 256], sizes = [2, 128], strides = [1, 1]} : vector<2x384xf32> to vector<2x128xf32>
      %mul3A_134 = arith.mulf %logistic3A_122, %slice3A_133 : vector<2x128xf32>
      %add3A_135 = arith.addf %slice3A_132, %mul3A_134 : vector<2x128xf32>
      %tanh3A_136 = math.tanh %add3A_135 : vector<2x128xf32>
      %sub3A_137 = arith.constant 1.000000e+00 : f32
      %sub3A_138 = vector.broadcast %sub3A_137 : f32 to vector<2x128xf32>
      %sub3A_139 = arith.subf %sub3A_138, %logistic3A_131 : vector<2x128xf32>
      %mul3A_140 = arith.mulf %sub3A_139, %tanh3A_136 : vector<2x128xf32>
      %mul3A_141 = arith.mulf %logistic3A_131, %scan3A_56 : vector<2x128xf32>
      %add3A_142 = arith.addf %mul3A_140, %mul3A_141 : vector<2x128xf32>
      %reshape3A_143 = vector.shape_cast %div3A_86 : vector<2x2048xf32> to vector<2x1x2048xf32>
      %swap3A_144 = arith.constant 0 : index
      %swap3A_145 = arith.index_cast %scan3A_55 : i32 to index
      %swap3A_146 = arith.constant 0 : index
      %swap3A_147 = vector.load %arg15[%swap3A_144, %swap3A_145, %swap3A_146] : memref<2x16x2048xf32, #tpu.memory_space<vmem>>, vector<2x1x2048xf32>
      tpu.vector_store %arg15[%swap3A_144, %swap3A_145, %swap3A_146], %reshape3A_143 {strides = array<i32>} : memref<2x16x2048xf32, #tpu.memory_space<vmem>>, vector<2x1x2048xf32>,
      %reshape3A_148 = vector.shape_cast %add3A_142 : vector<2x128xf32> to vector<2x1x128xf32>
      %add3A_149 = arith.constant 1 : i32
      %add3A_150 = arith.addi %scan3A_55, %add3A_149 : i32
      %swap3A_151 = arith.constant 0 : index
      %swap3A_152 = arith.index_cast %add3A_150 : i32 to index
      %swap3A_153 = arith.constant 0 : index
      %swap3A_154 = vector.load %arg16[%swap3A_151, %swap3A_152, %swap3A_153] : memref<2x17x128xf32, #tpu.memory_space<vmem>>, vector<2x1x128xf32>
      tpu.vector_store %arg16[%swap3A_151, %swap3A_152, %swap3A_153], %reshape3A_148 {strides = array<i32>} : memref<2x17x128xf32, #tpu.memory_space<vmem>>, vector<2x1x128xf32>,
      %add3A_155 = arith.addf %scan3A_57, %div3A_86 : vector<2x2048xf32>
      scf.yield %add3A_142, %add3A_155 : vector<2x128xf32>, vector<2x2048xf32>
    }
    %scan3A_54 = arith.constant 16 : i32
    return
  }
  func.func @transform_0(%arg0: i32) -> (i32, i32) {
    %c0_i32 = arith.constant 0 : i32
    %c0_i32_0 = arith.constant 0 : i32
    %c0_i32_1 = arith.constant 0 : i32
    return %c0_i32, %c0_i32_0 : i32, i32
  }
  func.func @transform_1(%arg0: i32) -> (i32, i32, i32) {
    %c0_i32 = arith.constant 0 : i32
    %c0_i32_0 = arith.constant 0 : i32
    %c0_i32_1 = arith.constant 0 : i32
    %c0_i32_2 = arith.constant 0 : i32
    return %c0_i32, %c0_i32_0, %c0_i32_1 : i32, i32, i32
  }
  func.func @transform_2(%arg0: i32) -> (i32, i32) {
    %c0_i32 = arith.constant 0 : i32
    %c0_i32_0 = arith.constant 0 : i32
    %c0_i32_1 = arith.constant 0 : i32
    return %c0_i32, %c0_i32_0 : i32, i32
  }
  func.func @transform_3(%arg0: i32) -> (i32, i32) {
    %c0_i32 = arith.constant 0 : i32
    %c0_i32_0 = arith.constant 0 : i32
    %c0_i32_1 = arith.constant 0 : i32
    return %c0_i32, %c0_i32_0 : i32, i32
  }
  func.func @transform_4(%arg0: i32) -> (i32, i32) {
    %c0_i32 = arith.constant 0 : i32
    %c0_i32_0 = arith.constant 0 : i32
    %c0_i32_1 = arith.constant 0 : i32
    return %c0_i32, %c0_i32_0 : i32, i32
  }
  func.func @transform_5(%arg0: i32) -> (i32, i32) {
    %c0_i32 = arith.constant 0 : i32
    %c0_i32_0 = arith.constant 0 : i32
    %c0_i32_1 = arith.constant 0 : i32
    return %c0_i32, %c0_i32_0 : i32, i32
  }
  func.func @transform_6(%arg0: i32) -> (i32, i32) {
    %c0_i32 = arith.constant 0 : i32
    %c0_i32_0 = arith.constant 0 : i32
    %c0_i32_1 = arith.constant 0 : i32
    return %c0_i32, %c0_i32_0 : i32, i32
  }
  func.func @transform_7(%arg0: i32) -> (i32, i32) {
    %c0_i32 = arith.constant 0 : i32
    %c0_i32_0 = arith.constant 0 : i32
    %c0_i32_1 = arith.constant 0 : i32
    return %c0_i32, %c0_i32_0 : i32, i32
  }
  func.func @transform_8(%arg0: i32) -> (i32, i32) {
    %c0_i32 = arith.constant 0 : i32
    %c0_i32_0 = arith.constant 0 : i32
    %c0_i32_1 = arith.constant 0 : i32
    return %c0_i32, %c0_i32_0 : i32, i32
  }
  func.func @transform_9(%arg0: i32) -> (i32, i32) {
    %c0_i32 = arith.constant 0 : i32
    %c0_i32_0 = arith.constant 0 : i32
    %c0_i32_1 = arith.constant 0 : i32
    return %c0_i32, %c0_i32_0 : i32, i32
  }
  func.func @transform_10(%arg0: i32) -> (i32, i32) {
    %c0_i32 = arith.constant 0 : i32
    %c0_i32_0 = arith.constant 0 : i32
    %c0_i32_1 = arith.constant 0 : i32
    return %c0_i32, %c0_i32_0 : i32, i32
  }
  func.func @transform_11(%arg0: i32) -> (i32, i32) {
    %c0_i32 = arith.constant 0 : i32
    %c0_i32_0 = arith.constant 0 : i32
    %c0_i32_1 = arith.constant 0 : i32
    return %c0_i32, %c0_i32_0 : i32, i32
  }
  func.func @transform_12(%arg0: i32) -> (i32, i32) {
    %c0_i32 = arith.constant 0 : i32
    %c0_i32_0 = arith.constant 0 : i32
    %c0_i32_1 = arith.constant 0 : i32
    return %c0_i32, %c0_i32_0 : i32, i32
  }
  func.func @transform_13(%arg0: i32) -> (i32, i32) {
    %c0_i32 = arith.constant 0 : i32
    %c0_i32_0 = arith.constant 0 : i32
    %c0_i32_1 = arith.constant 0 : i32
    return %c0_i32, %c0_i32_0 : i32, i32
  }
  func.func @transform_14(%arg0: i32) -> (i32, i32, i32) {
    %c0_i32 = arith.constant 0 : i32
    %c0_i32_0 = arith.constant 0 : i32
    %c0_i32_1 = arith.constant 0 : i32
    %c0_i32_2 = arith.constant 0 : i32
    return %c0_i32, %c0_i32_0, %c0_i32_1 : i32, i32, i32
  }
  func.func @transform_15(%arg0: i32) -> (i32, i32, i32) {
    %c0_i32 = arith.constant 0 : i32
    %c0_i32_0 = arith.constant 0 : i32
    %c0_i32_1 = arith.constant 0 : i32
    %c0_i32_2 = arith.constant 0 : i32
    return %c0_i32, %c0_i32_0, %c0_i32_1 : i32, i32, i32
  }
}

module attributes {stable_mosaic.version = 14 : i64} {
  func.func @_geom_body(%arg0: i32, %arg1: i32, %arg2: memref<1x1024x768xf32, #tpu.memory_space<vmem>>, %arg3: memref<1x2048x768xf32, #tpu.memory_space<vmem>>, %arg4: memref<1538x32xf32, #tpu.memory_space<vmem>>, %arg5: memref<1538x1xf32, #tpu.memory_space<vmem>>, %arg6: memref<1538x1xf32, #tpu.memory_space<vmem>>, %arg7: memref<1x32xf32, #tpu.memory_space<vmem>>, %arg8: memref<1x1024x4xi32, #tpu.memory_space<vmem>>, %arg9: memref<1x1024x32xf32, #tpu.memory_space<vmem>>, %arg10: memref<1x1024x128xf32, #tpu.memory_space<vmem>>, %arg11: memref<1538x32xf32, #tpu.memory_space<vmem>>, %arg12: memref<1x32xf32, #tpu.memory_space<vmem>>) attributes {dimension_semantics = [#tpu.dimension_semantics<arbitrary>, #tpu.dimension_semantics<arbitrary>], iteration_bounds = array<i64: 2, 2>, scalar_prefetch = 0 : i64, scratch_operands = 2 : i64, tpu.core_type = #tpu.core_type<tc>, window_params = [{transform_indices = @transform_0, window_bounds = array<i64: 1, 1024, 768>}, {transform_indices = @transform_1, window_bounds = array<i64: 1, 2048, 768>}, {pipeline_mode = #tpu.pipeline_mode<synchronous>, transform_indices = @transform_2, window_bounds = array<i64: 1538, 32>}, {pipeline_mode = #tpu.pipeline_mode<synchronous>, transform_indices = @transform_3, window_bounds = array<i64: 1538, 1>}, {pipeline_mode = #tpu.pipeline_mode<synchronous>, transform_indices = @transform_4, window_bounds = array<i64: 1538, 1>}, {pipeline_mode = #tpu.pipeline_mode<synchronous>, transform_indices = @transform_5, window_bounds = array<i64: 1, 32>}, {transform_indices = @transform_6, window_bounds = array<i64: 1, 1024, 4>}, {transform_indices = @transform_7, window_bounds = array<i64: 1, 1024, 32>}, {transform_indices = @transform_8, window_bounds = array<i64: 1, 1024, 128>}]} {
    %get3A = arith.constant 0 : index
    %get3A_0 = arith.constant 0 : index
    %get3A_1 = arith.constant 0 : index
    %get3A_2 = vector.load %arg2[%get3A, %get3A_0, %get3A_1] : memref<1x1024x768xf32, #tpu.memory_space<vmem>>, vector<1x1024x768xf32>
    %get3A_3 = vector.shape_cast %get3A_2 : vector<1x1024x768xf32> to vector<1024x768xf32>
    %get3A_4 = arith.constant 0 : index
    %get3A_5 = arith.constant 0 : index
    %get3A_6 = arith.constant 0 : index
    %get3A_7 = vector.load %arg3[%get3A_4, %get3A_5, %get3A_6] : memref<1x2048x768xf32, #tpu.memory_space<vmem>>, vector<1x2048x768xf32>
    %get3A_8 = vector.shape_cast %get3A_7 : vector<1x2048x768xf32> to vector<2048x768xf32>
    %eq3A = arith.constant 0 : i32
    %eq3A_9 = arith.cmpi eq, %arg0, %eq3A : i32
    %eq3A_10 = arith.constant 0 : i32
    %eq3A_11 = arith.cmpi eq, %arg1, %eq3A_10 : i32
    %and3A = arith.andi %eq3A_9, %eq3A_11 : i1
    %convert_element_type3A = arith.extui %and3A : i1 to i32
    %cond3A = arith.constant 0 : i32
    %cond3A_12 = arith.cmpi ne, %convert_element_type3A, %cond3A : i32
    scf.if %cond3A_12 {
      %get3A_184 = arith.constant 0 : index
      %get3A_185 = arith.constant 0 : index
      %get3A_186 = vector.load %arg4[%get3A_184, %get3A_185] : memref<1538x32xf32, #tpu.memory_space<vmem>>, vector<1538x32xf32>
      %get3A_187 = arith.constant 0 : index
      %get3A_188 = arith.constant 0 : index
      %get3A_189 = vector.load %arg5[%get3A_187, %get3A_188] : memref<1538x1xf32, #tpu.memory_space<vmem>>, vector<1538x1xf32>
      %div3A = vector.broadcast %get3A_189 : vector<1538x1xf32> to vector<1538x32xf32>
      %div3A_190 = arith.divf %get3A_186, %div3A : vector<1538x32xf32>
      %swap3A_191 = arith.constant 0 : index
      %swap3A_192 = arith.constant 0 : index
      %swap3A_193 = vector.load %arg11[%swap3A_191, %swap3A_192] : memref<1538x32xf32, #tpu.memory_space<vmem>>, vector<1538x32xf32>
      tpu.vector_store %arg11[%swap3A_191, %swap3A_192], %div3A_190 {strides = array<i32>} : memref<1538x32xf32, #tpu.memory_space<vmem>>, vector<1538x32xf32>,
      %get3A_194 = arith.constant 0 : index
      %get3A_195 = arith.constant 0 : index
      %get3A_196 = vector.load %arg7[%get3A_194, %get3A_195] : memref<1x32xf32, #tpu.memory_space<vmem>>, vector<1x32xf32>
      %get3A_197 = arith.constant 0 : index
      %get3A_198 = arith.constant 0 : index
      %get3A_199 = vector.load %arg6[%get3A_197, %get3A_198] : memref<1538x1xf32, #tpu.memory_space<vmem>>, vector<1538x1xf32>
      %get3A_200 = arith.constant 0 : index
      %get3A_201 = arith.constant 0 : index
      %get3A_202 = vector.load %arg5[%get3A_200, %get3A_201] : memref<1538x1xf32, #tpu.memory_space<vmem>>, vector<1538x1xf32>
      %div3A_203 = arith.divf %get3A_199, %get3A_202 : vector<1538x1xf32>
      %get3A_204 = arith.constant 0 : index
      %get3A_205 = arith.constant 0 : index
      %get3A_206 = vector.load %arg4[%get3A_204, %get3A_205] : memref<1538x32xf32, #tpu.memory_space<vmem>>, vector<1538x32xf32>
      %dot_general3A_207 = arith.constant dense<0.000000e+00> : vector<1x32xf32>
      %dot_general3A_208 = tpu.matmul %div3A_203, %get3A_206, %dot_general3A_207 {dimension_numbers = #tpu.dot_dimension_numbers<[0], [0], [1], [1], [0, 1, 1, 1], [], []>, transpose_lhs_hint = false} : vector<1538x1xf32>, vector<1538x32xf32>, vector<1x32xf32> -> vector<1x32xf32>
      %sub3A = arith.subf %get3A_196, %dot_general3A_208 : vector<1x32xf32>
      %swap3A_209 = arith.constant 0 : index
      %swap3A_210 = arith.constant 0 : index
      %swap3A_211 = vector.load %arg12[%swap3A_209, %swap3A_210] : memref<1x32xf32, #tpu.memory_space<vmem>>, vector<1x32xf32>
      tpu.vector_store %arg12[%swap3A_209, %swap3A_210], %sub3A {strides = array<i32>} : memref<1x32xf32, #tpu.memory_space<vmem>>, vector<1x32xf32>,
    } else {
    }
    %get3A_13 = arith.constant 0 : index
    %get3A_14 = arith.constant 0 : index
    %get3A_15 = vector.load %arg11[%get3A_13, %get3A_14] : memref<1538x32xf32, #tpu.memory_space<vmem>>, vector<1538x32xf32>
    %get3A_16 = arith.constant 0 : index
    %get3A_17 = arith.constant 0 : index
    %get3A_18 = vector.load %arg12[%get3A_16, %get3A_17] : memref<1x32xf32, #tpu.memory_space<vmem>>, vector<1x32xf32>
    %mul3A = arith.mulf %get3A_3, %get3A_3 : vector<1024x768xf32>
    %reduce_sum3A = arith.constant dense<0.000000e+00> : vector<1024xf32>
    %reduce_sum3A_19 = vector.multi_reduction <add>, %mul3A, %reduce_sum3A [1] : vector<1024x768xf32> to vector<1024xf32>
    %broadcast_in_dim3A = vector.shape_cast %reduce_sum3A_19 : vector<1024xf32> to vector<1024x1xf32>
    %mul3A_20 = arith.mulf %get3A_8, %get3A_8 : vector<2048x768xf32>
    %reduce_sum3A_21 = arith.constant dense<0.000000e+00> : vector<2048xf32>
    %reduce_sum3A_22 = vector.multi_reduction <add>, %mul3A_20, %reduce_sum3A_21 [1] : vector<2048x768xf32> to vector<2048xf32>
    %broadcast_in_dim3A_23 = vector.shape_cast %reduce_sum3A_22 : vector<2048xf32> to vector<2048x1xf32>
    %reshape3A = vector.shape_cast %broadcast_in_dim3A_23 : vector<2048x1xf32> to vector<1x2048xf32>
    %mul3A_24 = arith.constant -2.000000e+00 : f32
    %mul3A_25 = vector.broadcast %mul3A_24 : f32 to vector<1024x768xf32>
    %mul3A_26 = arith.mulf %mul3A_25, %get3A_3 : vector<1024x768xf32>
    %dot_general3A = arith.constant dense<0.000000e+00> : vector<1024x2048xf32>
    %dot_general3A_27 = tpu.matmul %mul3A_26, %get3A_8, %dot_general3A {dimension_numbers = #tpu.dot_dimension_numbers<[1], [1], [0], [0], [0, 0, 1, 0], [], []>, transpose_lhs_hint = false} : vector<1024x768xf32>, vector<2048x768xf32>, vector<1024x2048xf32> -> vector<1024x2048xf32>
    %iota3A = tpu.iota {dimensions = array<i32: 1>} : vector<1024x2048xi32>
    %mul3A_28 = arith.constant 1024 : i32
    %mul3A_29 = arith.muli %arg1, %mul3A_28 : i32
    %iota3A_30 = tpu.iota {dimensions = array<i32: 0>} : vector<1024x2048xi32>
    %add3A = vector.broadcast %mul3A_29 : i32 to vector<1024x2048xi32>
    %add3A_31 = arith.addi %add3A, %iota3A_30 : vector<1024x2048xi32>
    %eq3A_32 = arith.cmpi eq, %iota3A, %add3A_31 : vector<1024x2048xi32>
    %add3A_33 = vector.broadcast %reshape3A : vector<1x2048xf32> to vector<1024x2048xf32>
    %add3A_34 = arith.addf %dot_general3A_27, %add3A_33 : vector<1024x2048xf32>
    %jit3A = arith.constant 1.000000e+09 : f32
    %broadcast_in_dim3A_35 = vector.broadcast %jit3A : f32 to vector<1024x2048xf32>
    %select_n3A = arith.select %eq3A_32, %broadcast_in_dim3A_35, %add3A_34 : vector<1024x2048xi1>, vector<1024x2048xf32>
    %broadcast_in_dim3A_36 = arith.constant 0.000000e+00 : f32
    %broadcast_in_dim3A_37 = vector.broadcast %broadcast_in_dim3A_36 : f32 to vector<1024x1xf32>
    %reduce_min3A = arith.constant dense<0x7F800000> : vector<1024xf32>
    %reduce_min3A_38 = vector.multi_reduction <minimumf>, %select_n3A, %reduce_min3A [1] : vector<1024x2048xf32> to vector<1024xf32>
    %broadcast_in_dim3A_39 = vector.shape_cast %reduce_min3A_38 : vector<1024xf32> to vector<1024x1xf32>
    %eq3A_40 = vector.broadcast %broadcast_in_dim3A_39 : vector<1024x1xf32> to vector<1024x2048xf32>
    %eq3A_41 = arith.cmpf oeq, %select_n3A, %eq3A_40 : vector<1024x2048xf32>
    %jit3A_42 = arith.constant 2048 : i32
    %broadcast_in_dim3A_43 = vector.broadcast %jit3A_42 : i32 to vector<1024x2048xi32>
    %select_n3A_44 = arith.select %eq3A_41, %iota3A, %broadcast_in_dim3A_43 : vector<1024x2048xi1>, vector<1024x2048xi32>
    %reduce_min3A_45 = arith.constant dense<2147483647> : vector<1024xi32>
    %reduce_min3A_46 = vector.multi_reduction <minsi>, %select_n3A_44, %reduce_min3A_45 [1] : vector<1024x2048xi32> to vector<1024xi32>
    %broadcast_in_dim3A_47 = vector.shape_cast %reduce_min3A_46 : vector<1024xi32> to vector<1024x1xi32>
    %add3A_48 = arith.addf %broadcast_in_dim3A_39, %broadcast_in_dim3A : vector<1024x1xf32>
    %max3A = arith.constant 0.000000e+00 : f32
    %max3A_49 = vector.broadcast %max3A : f32 to vector<1024x1xf32>
    %max3A_50 = arith.maximumf %add3A_48, %max3A_49 : vector<1024x1xf32>
    %sqrt3A = math.sqrt %max3A_50 : vector<1024x1xf32>
    %add3A_51 = arith.addf %broadcast_in_dim3A_37, %sqrt3A : vector<1024x1xf32>
    %mul3A_52 = arith.constant 2048 : i32
    %mul3A_53 = arith.muli %arg0, %mul3A_52 : i32
    %add3A_54 = vector.broadcast %mul3A_53 : i32 to vector<1024x1xi32>
    %add3A_55 = arith.addi %broadcast_in_dim3A_47, %add3A_54 : vector<1024x1xi32>
    %swap3A = arith.constant 0 : index
    %swap3A_56 = arith.constant 0 : index
    %swap3A_57 = arith.constant 0 : index
    %swap3A_58 = vector.load %arg8[%swap3A, %swap3A_56, %swap3A_57] : memref<1x1024x4xi32, #tpu.memory_space<vmem>>, vector<1x1024x1xi32>
    %swap3A_59 = vector.shape_cast %swap3A_58 : vector<1x1024x1xi32> to vector<1024x1xi32>
    %swap3A_60 = vector.shape_cast %add3A_55 : vector<1024x1xi32> to vector<1x1024x1xi32>
    tpu.vector_store %arg8[%swap3A, %swap3A_56, %swap3A_57], %swap3A_60 {strides = array<i32>} : memref<1x1024x4xi32, #tpu.memory_space<vmem>>, vector<1x1024x1xi32>,
    %jit3A_61 = arith.constant 3.000000e+09 : f32
    %broadcast_in_dim3A_62 = vector.broadcast %jit3A_61 : f32 to vector<1024x2048xf32>
    %select_n3A_63 = arith.select %eq3A_41, %broadcast_in_dim3A_62, %select_n3A : vector<1024x2048xi1>, vector<1024x2048xf32>
    %reduce_min3A_64 = arith.constant dense<0x7F800000> : vector<1024xf32>
    %reduce_min3A_65 = vector.multi_reduction <minimumf>, %select_n3A_63, %reduce_min3A_64 [1] : vector<1024x2048xf32> to vector<1024xf32>
    %broadcast_in_dim3A_66 = vector.shape_cast %reduce_min3A_65 : vector<1024xf32> to vector<1024x1xf32>
    %eq3A_67 = vector.broadcast %broadcast_in_dim3A_66 : vector<1024x1xf32> to vector<1024x2048xf32>
    %eq3A_68 = arith.cmpf oeq, %select_n3A_63, %eq3A_67 : vector<1024x2048xf32>
    %jit3A_69 = arith.constant 2048 : i32
    %broadcast_in_dim3A_70 = vector.broadcast %jit3A_69 : i32 to vector<1024x2048xi32>
    %select_n3A_71 = arith.select %eq3A_68, %iota3A, %broadcast_in_dim3A_70 : vector<1024x2048xi1>, vector<1024x2048xi32>
    %reduce_min3A_72 = arith.constant dense<2147483647> : vector<1024xi32>
    %reduce_min3A_73 = vector.multi_reduction <minsi>, %select_n3A_71, %reduce_min3A_72 [1] : vector<1024x2048xi32> to vector<1024xi32>
    %broadcast_in_dim3A_74 = vector.shape_cast %reduce_min3A_73 : vector<1024xi32> to vector<1024x1xi32>
    %add3A_75 = arith.addf %broadcast_in_dim3A_66, %broadcast_in_dim3A : vector<1024x1xf32>
    %max3A_76 = arith.constant 0.000000e+00 : f32
    %max3A_77 = vector.broadcast %max3A_76 : f32 to vector<1024x1xf32>
    %max3A_78 = arith.maximumf %add3A_75, %max3A_77 : vector<1024x1xf32>
    %sqrt3A_79 = math.sqrt %max3A_78 : vector<1024x1xf32>
    %add3A_80 = arith.addf %add3A_51, %sqrt3A_79 : vector<1024x1xf32>
    %mul3A_81 = arith.constant 2048 : i32
    %mul3A_82 = arith.muli %arg0, %mul3A_81 : i32
    %add3A_83 = vector.broadcast %mul3A_82 : i32 to vector<1024x1xi32>
    %add3A_84 = arith.addi %broadcast_in_dim3A_74, %add3A_83 : vector<1024x1xi32>
    %swap3A_85 = arith.constant 0 : index
    %swap3A_86 = arith.constant 0 : index
    %swap3A_87 = arith.constant 1 : index
    %swap3A_88 = vector.load %arg8[%swap3A_85, %swap3A_86, %swap3A_87] : memref<1x1024x4xi32, #tpu.memory_space<vmem>>, vector<1x1024x1xi32>
    %swap3A_89 = vector.shape_cast %swap3A_88 : vector<1x1024x1xi32> to vector<1024x1xi32>
    %swap3A_90 = vector.shape_cast %add3A_84 : vector<1024x1xi32> to vector<1x1024x1xi32>
    tpu.vector_store %arg8[%swap3A_85, %swap3A_86, %swap3A_87], %swap3A_90 {strides = array<i32>} : memref<1x1024x4xi32, #tpu.memory_space<vmem>>, vector<1x1024x1xi32>,
    %jit3A_91 = arith.constant 3.000000e+09 : f32
    %broadcast_in_dim3A_92 = vector.broadcast %jit3A_91 : f32 to vector<1024x2048xf32>
    %select_n3A_93 = arith.select %eq3A_68, %broadcast_in_dim3A_92, %select_n3A_63 : vector<1024x2048xi1>, vector<1024x2048xf32>
    %reduce_min3A_94 = arith.constant dense<0x7F800000> : vector<1024xf32>
    %reduce_min3A_95 = vector.multi_reduction <minimumf>, %select_n3A_93, %reduce_min3A_94 [1] : vector<1024x2048xf32> to vector<1024xf32>
    %broadcast_in_dim3A_96 = vector.shape_cast %reduce_min3A_95 : vector<1024xf32> to vector<1024x1xf32>
    %eq3A_97 = vector.broadcast %broadcast_in_dim3A_96 : vector<1024x1xf32> to vector<1024x2048xf32>
    %eq3A_98 = arith.cmpf oeq, %select_n3A_93, %eq3A_97 : vector<1024x2048xf32>
    %jit3A_99 = arith.constant 2048 : i32
    %broadcast_in_dim3A_100 = vector.broadcast %jit3A_99 : i32 to vector<1024x2048xi32>
    %select_n3A_101 = arith.select %eq3A_98, %iota3A, %broadcast_in_dim3A_100 : vector<1024x2048xi1>, vector<1024x2048xi32>
    %reduce_min3A_102 = arith.constant dense<2147483647> : vector<1024xi32>
    %reduce_min3A_103 = vector.multi_reduction <minsi>, %select_n3A_101, %reduce_min3A_102 [1] : vector<1024x2048xi32> to vector<1024xi32>
    %broadcast_in_dim3A_104 = vector.shape_cast %reduce_min3A_103 : vector<1024xi32> to vector<1024x1xi32>
    %add3A_105 = arith.addf %broadcast_in_dim3A_96, %broadcast_in_dim3A : vector<1024x1xf32>
    %max3A_106 = arith.constant 0.000000e+00 : f32
    %max3A_107 = vector.broadcast %max3A_106 : f32 to vector<1024x1xf32>
    %max3A_108 = arith.maximumf %add3A_105, %max3A_107 : vector<1024x1xf32>
    %sqrt3A_109 = math.sqrt %max3A_108 : vector<1024x1xf32>
    %add3A_110 = arith.addf %add3A_80, %sqrt3A_109 : vector<1024x1xf32>
    %mul3A_111 = arith.constant 2048 : i32
    %mul3A_112 = arith.muli %arg0, %mul3A_111 : i32
    %add3A_113 = vector.broadcast %mul3A_112 : i32 to vector<1024x1xi32>
    %add3A_114 = arith.addi %broadcast_in_dim3A_104, %add3A_113 : vector<1024x1xi32>
    %swap3A_115 = arith.constant 0 : index
    %swap3A_116 = arith.constant 0 : index
    %swap3A_117 = arith.constant 2 : index
    %swap3A_118 = vector.load %arg8[%swap3A_115, %swap3A_116, %swap3A_117] : memref<1x1024x4xi32, #tpu.memory_space<vmem>>, vector<1x1024x1xi32>
    %swap3A_119 = vector.shape_cast %swap3A_118 : vector<1x1024x1xi32> to vector<1024x1xi32>
    %swap3A_120 = vector.shape_cast %add3A_114 : vector<1024x1xi32> to vector<1x1024x1xi32>
    tpu.vector_store %arg8[%swap3A_115, %swap3A_116, %swap3A_117], %swap3A_120 {strides = array<i32>} : memref<1x1024x4xi32, #tpu.memory_space<vmem>>, vector<1x1024x1xi32>,
    %jit3A_121 = arith.constant 3.000000e+09 : f32
    %broadcast_in_dim3A_122 = vector.broadcast %jit3A_121 : f32 to vector<1024x2048xf32>
    %select_n3A_123 = arith.select %eq3A_98, %broadcast_in_dim3A_122, %select_n3A_93 : vector<1024x2048xi1>, vector<1024x2048xf32>
    %reduce_min3A_124 = arith.constant dense<0x7F800000> : vector<1024xf32>
    %reduce_min3A_125 = vector.multi_reduction <minimumf>, %select_n3A_123, %reduce_min3A_124 [1] : vector<1024x2048xf32> to vector<1024xf32>
    %broadcast_in_dim3A_126 = vector.shape_cast %reduce_min3A_125 : vector<1024xf32> to vector<1024x1xf32>
    %eq3A_127 = vector.broadcast %broadcast_in_dim3A_126 : vector<1024x1xf32> to vector<1024x2048xf32>
    %eq3A_128 = arith.cmpf oeq, %select_n3A_123, %eq3A_127 : vector<1024x2048xf32>
    %jit3A_129 = arith.constant 2048 : i32
    %broadcast_in_dim3A_130 = vector.broadcast %jit3A_129 : i32 to vector<1024x2048xi32>
    %select_n3A_131 = arith.select %eq3A_128, %iota3A, %broadcast_in_dim3A_130 : vector<1024x2048xi1>, vector<1024x2048xi32>
    %reduce_min3A_132 = arith.constant dense<2147483647> : vector<1024xi32>
    %reduce_min3A_133 = vector.multi_reduction <minsi>, %select_n3A_131, %reduce_min3A_132 [1] : vector<1024x2048xi32> to vector<1024xi32>
    %broadcast_in_dim3A_134 = vector.shape_cast %reduce_min3A_133 : vector<1024xi32> to vector<1024x1xi32>
    %add3A_135 = arith.addf %broadcast_in_dim3A_126, %broadcast_in_dim3A : vector<1024x1xf32>
    %max3A_136 = arith.constant 0.000000e+00 : f32
    %max3A_137 = vector.broadcast %max3A_136 : f32 to vector<1024x1xf32>
    %max3A_138 = arith.maximumf %add3A_135, %max3A_137 : vector<1024x1xf32>
    %sqrt3A_139 = math.sqrt %max3A_138 : vector<1024x1xf32>
    %add3A_140 = arith.addf %add3A_110, %sqrt3A_139 : vector<1024x1xf32>
    %mul3A_141 = arith.constant 2048 : i32
    %mul3A_142 = arith.muli %arg0, %mul3A_141 : i32
    %add3A_143 = vector.broadcast %mul3A_142 : i32 to vector<1024x1xi32>
    %add3A_144 = arith.addi %broadcast_in_dim3A_134, %add3A_143 : vector<1024x1xi32>
    %swap3A_145 = arith.constant 0 : index
    %swap3A_146 = arith.constant 0 : index
    %swap3A_147 = arith.constant 3 : index
    %swap3A_148 = vector.load %arg8[%swap3A_145, %swap3A_146, %swap3A_147] : memref<1x1024x4xi32, #tpu.memory_space<vmem>>, vector<1x1024x1xi32>
    %swap3A_149 = vector.shape_cast %swap3A_148 : vector<1x1024x1xi32> to vector<1024x1xi32>
    %swap3A_150 = vector.shape_cast %add3A_144 : vector<1024x1xi32> to vector<1x1024x1xi32>
    tpu.vector_store %arg8[%swap3A_145, %swap3A_146, %swap3A_147], %swap3A_150 {strides = array<i32>} : memref<1x1024x4xi32, #tpu.memory_space<vmem>>, vector<1x1024x1xi32>,
    %slice3A = vector.extract_strided_slice %get3A_15 {offsets = [768, 0], sizes = [768, 32], strides = [1, 1]} : vector<1538x32xf32> to vector<768x32xf32>
    %dot_general3A_151 = arith.constant dense<0.000000e+00> : vector<1024x32xf32>
    %dot_general3A_152 = tpu.matmul %get3A_3, %slice3A, %dot_general3A_151 {dimension_numbers = #tpu.dot_dimension_numbers<[1], [0], [0], [1], [0, 0, 1, 1], [], []>, transpose_lhs_hint = false} : vector<1024x768xf32>, vector<768x32xf32>, vector<1024x32xf32> -> vector<1024x32xf32>
    %swap3A_153 = arith.constant 0 : index
    %swap3A_154 = arith.constant 0 : index
    %swap3A_155 = arith.constant 0 : index
    %swap3A_156 = vector.load %arg10[%swap3A_153, %swap3A_154, %swap3A_155] : memref<1x1024x128xf32, #tpu.memory_space<vmem>>, vector<1x1024x32xf32>
    %swap3A_157 = vector.shape_cast %swap3A_156 : vector<1x1024x32xf32> to vector<1024x32xf32>
    %swap3A_158 = vector.shape_cast %dot_general3A_152 : vector<1024x32xf32> to vector<1x1024x32xf32>
    tpu.vector_store %arg10[%swap3A_153, %swap3A_154, %swap3A_155], %swap3A_158 {strides = array<i32>} : memref<1x1024x128xf32, #tpu.memory_space<vmem>>, vector<1x1024x32xf32>,
    %slice3A_159 = vector.extract_strided_slice %get3A_15 {offsets = [0, 0], sizes = [768, 32], strides = [1, 1]} : vector<1538x32xf32> to vector<768x32xf32>
    %dot_general3A_160 = arith.constant dense<0.000000e+00> : vector<1024x32xf32>
    %dot_general3A_161 = tpu.matmul %get3A_3, %slice3A_159, %dot_general3A_160 {dimension_numbers = #tpu.dot_dimension_numbers<[1], [0], [0], [1], [0, 0, 1, 1], [], []>, transpose_lhs_hint = false} : vector<1024x768xf32>, vector<768x32xf32>, vector<1024x32xf32> -> vector<1024x32xf32>
    %sqrt3A_162 = math.sqrt %broadcast_in_dim3A : vector<1024x1xf32>
    %slice3A_163 = vector.extract_strided_slice %get3A_15 {offsets = [1536, 0], sizes = [1, 32], strides = [1, 1]} : vector<1538x32xf32> to vector<1x32xf32>
    %mul3A_164 = vector.broadcast %sqrt3A_162 : vector<1024x1xf32> to vector<1024x32xf32>
    %mul3A_165 = vector.broadcast %slice3A_163 : vector<1x32xf32> to vector<1024x32xf32>
    %mul3A_166 = arith.mulf %mul3A_164, %mul3A_165 : vector<1024x32xf32>
    %add3A_167 = arith.addf %dot_general3A_161, %mul3A_166 : vector<1024x32xf32>
    %mul3A_168 = arith.constant 2.500000e-01 : f32
    %mul3A_169 = vector.broadcast %mul3A_168 : f32 to vector<1024x1xf32>
    %mul3A_170 = arith.mulf %add3A_140, %mul3A_169 : vector<1024x1xf32>
    %slice3A_171 = vector.extract_strided_slice %get3A_15 {offsets = [1537, 0], sizes = [1, 32], strides = [1, 1]} : vector<1538x32xf32> to vector<1x32xf32>
    %mul3A_172 = vector.broadcast %mul3A_170 : vector<1024x1xf32> to vector<1024x32xf32>
    %mul3A_173 = vector.broadcast %slice3A_171 : vector<1x32xf32> to vector<1024x32xf32>
    %mul3A_174 = arith.mulf %mul3A_172, %mul3A_173 : vector<1024x32xf32>
    %add3A_175 = arith.addf %add3A_167, %mul3A_174 : vector<1024x32xf32>
    %add3A_176 = vector.broadcast %get3A_18 : vector<1x32xf32> to vector<1024x32xf32>
    %add3A_177 = arith.addf %add3A_175, %add3A_176 : vector<1024x32xf32>
    %swap3A_178 = arith.constant 0 : index
    %swap3A_179 = arith.constant 0 : index
    %swap3A_180 = arith.constant 0 : index
    %swap3A_181 = vector.load %arg9[%swap3A_178, %swap3A_179, %swap3A_180] : memref<1x1024x32xf32, #tpu.memory_space<vmem>>, vector<1x1024x32xf32>
    %swap3A_182 = vector.shape_cast %swap3A_181 : vector<1x1024x32xf32> to vector<1024x32xf32>
    %swap3A_183 = vector.shape_cast %add3A_177 : vector<1024x32xf32> to vector<1x1024x32xf32>
    tpu.vector_store %arg9[%swap3A_178, %swap3A_179, %swap3A_180], %swap3A_183 {strides = array<i32>} : memref<1x1024x32xf32, #tpu.memory_space<vmem>>, vector<1x1024x32xf32>,
    return
  }
  func.func @transform_0(%arg0: i32, %arg1: i32) -> (i32, i32, i32) {
    %c0_i32 = arith.constant 0 : i32
    %c0_i32_0 = arith.constant 0 : i32
    return %arg0, %arg1, %c0_i32 : i32, i32, i32
  }
  func.func @transform_1(%arg0: i32, %arg1: i32) -> (i32, i32, i32) {
    %c0_i32 = arith.constant 0 : i32
    %c0_i32_0 = arith.constant 0 : i32
    %c0_i32_1 = arith.constant 0 : i32
    return %arg0, %c0_i32, %c0_i32_0 : i32, i32, i32
  }
  func.func @transform_2(%arg0: i32, %arg1: i32) -> (i32, i32) {
    %c0_i32 = arith.constant 0 : i32
    %c0_i32_0 = arith.constant 0 : i32
    %c0_i32_1 = arith.constant 0 : i32
    return %c0_i32, %c0_i32_0 : i32, i32
  }
  func.func @transform_3(%arg0: i32, %arg1: i32) -> (i32, i32) {
    %c0_i32 = arith.constant 0 : i32
    %c0_i32_0 = arith.constant 0 : i32
    %c0_i32_1 = arith.constant 0 : i32
    return %c0_i32, %c0_i32_0 : i32, i32
  }
  func.func @transform_4(%arg0: i32, %arg1: i32) -> (i32, i32) {
    %c0_i32 = arith.constant 0 : i32
    %c0_i32_0 = arith.constant 0 : i32
    %c0_i32_1 = arith.constant 0 : i32
    return %c0_i32, %c0_i32_0 : i32, i32
  }
  func.func @transform_5(%arg0: i32, %arg1: i32) -> (i32, i32) {
    %c0_i32 = arith.constant 0 : i32
    %c0_i32_0 = arith.constant 0 : i32
    %c0_i32_1 = arith.constant 0 : i32
    return %c0_i32, %c0_i32_0 : i32, i32
  }
  func.func @transform_6(%arg0: i32, %arg1: i32) -> (i32, i32, i32) {
    %c0_i32 = arith.constant 0 : i32
    %c0_i32_0 = arith.constant 0 : i32
    return %arg0, %arg1, %c0_i32 : i32, i32, i32
  }
  func.func @transform_7(%arg0: i32, %arg1: i32) -> (i32, i32, i32) {
    %c0_i32 = arith.constant 0 : i32
    %c0_i32_0 = arith.constant 0 : i32
    return %arg0, %arg1, %c0_i32 : i32, i32, i32
  }
  func.func @transform_8(%arg0: i32, %arg1: i32) -> (i32, i32, i32) {
    %c0_i32 = arith.constant 0 : i32
    %c0_i32_0 = arith.constant 0 : i32
    return %arg0, %arg1, %c0_i32 : i32, i32, i32
  }
}

module attributes {stable_mosaic.version = 14 : i64} {
  func.func @_combine_body(%arg0: i32, %arg1: memref<1x16x2048xf32, #tpu.memory_space<vmem>>, %arg2: memref<1x2048x32xf32, #tpu.memory_space<vmem>>, %arg3: memref<1x2048x128xf32, #tpu.memory_space<vmem>>, %arg4: memref<32x1024xf32, #tpu.memory_space<vmem>>, %arg5: memref<1x1024xf32, #tpu.memory_space<vmem>>, %arg6: memref<1x16x1024xf32, #tpu.memory_space<vmem>>, %arg7: memref<1x1x2048xf32, #tpu.memory_space<vmem>>) attributes {dimension_semantics = [#tpu.dimension_semantics<arbitrary>], iteration_bounds = array<i64: 2>, scalar_prefetch = 0 : i64, scratch_operands = 0 : i64, tpu.core_type = #tpu.core_type<tc>, window_params = [{transform_indices = @transform_0, window_bounds = array<i64: 1, 16, 2048>}, {transform_indices = @transform_1, window_bounds = array<i64: 1, 2048, 32>}, {transform_indices = @transform_2, window_bounds = array<i64: 1, 2048, 128>}, {pipeline_mode = #tpu.pipeline_mode<synchronous>, transform_indices = @transform_3, window_bounds = array<i64: 32, 1024>}, {pipeline_mode = #tpu.pipeline_mode<synchronous>, transform_indices = @transform_4, window_bounds = array<i64: 1, 1024>}, {transform_indices = @transform_5, window_bounds = array<i64: 1, 16, 1024>}, {transform_indices = @transform_6, window_bounds = array<i64: 1, 1, 2048>}]} {
    %get3A = arith.constant 0 : index
    %get3A_0 = arith.constant 0 : index
    %get3A_1 = arith.constant 0 : index
    %get3A_2 = vector.load %arg1[%get3A, %get3A_0, %get3A_1] : memref<1x16x2048xf32, #tpu.memory_space<vmem>>, vector<1x16x2048xf32>
    %get3A_3 = vector.shape_cast %get3A_2 : vector<1x16x2048xf32> to vector<16x2048xf32>
    %get3A_4 = arith.constant 0 : index
    %get3A_5 = arith.constant 0 : index
    %get3A_6 = arith.constant 0 : index
    %get3A_7 = vector.load %arg3[%get3A_4, %get3A_5, %get3A_6] : memref<1x2048x128xf32, #tpu.memory_space<vmem>>, vector<1x2048x128xf32>
    %get3A_8 = vector.shape_cast %get3A_7 : vector<1x2048x128xf32> to vector<2048x128xf32>
    %slice3A = vector.extract_strided_slice %get3A_8 {offsets = [0, 0], sizes = [2048, 32], strides = [1, 1]} : vector<2048x128xf32> to vector<2048x32xf32>
    %get3A_9 = arith.constant 0 : index
    %get3A_10 = arith.constant 0 : index
    %get3A_11 = arith.constant 0 : index
    %get3A_12 = vector.load %arg2[%get3A_9, %get3A_10, %get3A_11] : memref<1x2048x32xf32, #tpu.memory_space<vmem>>, vector<1x2048x32xf32>
    %get3A_13 = vector.shape_cast %get3A_12 : vector<1x2048x32xf32> to vector<2048x32xf32>
    %mul3A = arith.constant 2.500000e-01 : f32
    %mul3A_14 = vector.broadcast %mul3A : f32 to vector<2048x32xf32>
    %mul3A_15 = arith.mulf %slice3A, %mul3A_14 : vector<2048x32xf32>
    %add3A = arith.addf %get3A_13, %mul3A_15 : vector<2048x32xf32>
    %tanh3A = math.tanh %add3A : vector<2048x32xf32>
    %reduce_sum3A = arith.constant dense<0.000000e+00> : vector<16xf32>
    %reduce_sum3A_16 = vector.multi_reduction <add>, %get3A_3, %reduce_sum3A [1] : vector<16x2048xf32> to vector<16xf32>
    %broadcast_in_dim3A = vector.shape_cast %reduce_sum3A_16 : vector<16xf32> to vector<16x1xf32>
    %jit3A = arith.constant 9.99999997E-7 : f32
    %max3A = vector.broadcast %jit3A : f32 to vector<16x1xf32>
    %max3A_17 = arith.maximumf %max3A, %broadcast_in_dim3A : vector<16x1xf32>
    %dot_general3A = arith.constant dense<0.000000e+00> : vector<16x32xf32>
    %dot_general3A_18 = tpu.matmul %get3A_3, %tanh3A, %dot_general3A {dimension_numbers = #tpu.dot_dimension_numbers<[1], [0], [0], [1], [0, 0, 1, 1], [], []>, transpose_lhs_hint = false} : vector<16x2048xf32>, vector<2048x32xf32>, vector<16x32xf32> -> vector<16x32xf32>
    %div3A = vector.broadcast %max3A_17 : vector<16x1xf32> to vector<16x32xf32>
    %div3A_19 = arith.divf %dot_general3A_18, %div3A : vector<16x32xf32>
    %get3A_20 = arith.constant 0 : index
    %get3A_21 = arith.constant 0 : index
    %get3A_22 = vector.load %arg4[%get3A_20, %get3A_21] : memref<32x1024xf32, #tpu.memory_space<vmem>>, vector<32x1024xf32>
    %dot_general3A_23 = arith.constant dense<0.000000e+00> : vector<16x1024xf32>
    %dot_general3A_24 = tpu.matmul %div3A_19, %get3A_22, %dot_general3A_23 {dimension_numbers = #tpu.dot_dimension_numbers<[1], [0], [0], [1], [0, 0, 1, 1], [], []>, transpose_lhs_hint = false} : vector<16x32xf32>, vector<32x1024xf32>, vector<16x1024xf32> -> vector<16x1024xf32>
    %get3A_25 = arith.constant 0 : index
    %get3A_26 = arith.constant 0 : index
    %get3A_27 = vector.load %arg5[%get3A_25, %get3A_26] : memref<1x1024xf32, #tpu.memory_space<vmem>>, vector<1x1024xf32>
    %add3A_28 = vector.broadcast %get3A_27 : vector<1x1024xf32> to vector<16x1024xf32>
    %add3A_29 = arith.addf %dot_general3A_24, %add3A_28 : vector<16x1024xf32>
    %swap3A = arith.constant 0 : index
    %swap3A_30 = arith.constant 0 : index
    %swap3A_31 = arith.constant 0 : index
    %swap3A_32 = vector.load %arg6[%swap3A, %swap3A_30, %swap3A_31] : memref<1x16x1024xf32, #tpu.memory_space<vmem>>, vector<1x16x1024xf32>
    %swap3A_33 = vector.shape_cast %swap3A_32 : vector<1x16x1024xf32> to vector<16x1024xf32>
    %swap3A_34 = vector.shape_cast %add3A_29 : vector<16x1024xf32> to vector<1x16x1024xf32>
    tpu.vector_store %arg6[%swap3A, %swap3A_30, %swap3A_31], %swap3A_34 {strides = array<i32>} : memref<1x16x1024xf32, #tpu.memory_space<vmem>>, vector<1x16x1024xf32>,
    %reduce_sum3A_35 = arith.constant dense<0.000000e+00> : vector<2048xf32>
    %reduce_sum3A_36 = vector.multi_reduction <add>, %get3A_3, %reduce_sum3A_35 [0] : vector<16x2048xf32> to vector<2048xf32>
    %broadcast_in_dim3A_37 = vector.shape_cast %reduce_sum3A_36 : vector<2048xf32> to vector<1x2048xf32>
    %div3A_38 = arith.constant 1.600000e+01 : f32
    %div3A_39 = vector.broadcast %div3A_38 : f32 to vector<1x2048xf32>
    %div3A_40 = arith.divf %broadcast_in_dim3A_37, %div3A_39 : vector<1x2048xf32>
    %swap3A_41 = arith.constant 0 : index
    %swap3A_42 = arith.constant 0 : index
    %swap3A_43 = arith.constant 0 : index
    %swap3A_44 = vector.load %arg7[%swap3A_41, %swap3A_42, %swap3A_43] : memref<1x1x2048xf32, #tpu.memory_space<vmem>>, vector<1x1x2048xf32>
    %swap3A_45 = vector.shape_cast %swap3A_44 : vector<1x1x2048xf32> to vector<1x2048xf32>
    %swap3A_46 = vector.shape_cast %div3A_40 : vector<1x2048xf32> to vector<1x1x2048xf32>
    tpu.vector_store %arg7[%swap3A_41, %swap3A_42, %swap3A_43], %swap3A_46 {strides = array<i32>} : memref<1x1x2048xf32, #tpu.memory_space<vmem>>, vector<1x1x2048xf32>,
    return
  }
  func.func @transform_0(%arg0: i32) -> (i32, i32, i32) {
    %c0_i32 = arith.constant 0 : i32
    %c0_i32_0 = arith.constant 0 : i32
    %c0_i32_1 = arith.constant 0 : i32
    return %arg0, %c0_i32, %c0_i32_0 : i32, i32, i32
  }
  func.func @transform_1(%arg0: i32) -> (i32, i32, i32) {
    %c0_i32 = arith.constant 0 : i32
    %c0_i32_0 = arith.constant 0 : i32
    %c0_i32_1 = arith.constant 0 : i32
    return %arg0, %c0_i32, %c0_i32_0 : i32, i32, i32
  }
  func.func @transform_2(%arg0: i32) -> (i32, i32, i32) {
    %c0_i32 = arith.constant 0 : i32
    %c0_i32_0 = arith.constant 0 : i32
    %c0_i32_1 = arith.constant 0 : i32
    return %arg0, %c0_i32, %c0_i32_0 : i32, i32, i32
  }
  func.func @transform_3(%arg0: i32) -> (i32, i32) {
    %c0_i32 = arith.constant 0 : i32
    %c0_i32_0 = arith.constant 0 : i32
    %c0_i32_1 = arith.constant 0 : i32
    return %c0_i32, %c0_i32_0 : i32, i32
  }
  func.func @transform_4(%arg0: i32) -> (i32, i32) {
    %c0_i32 = arith.constant 0 : i32
    %c0_i32_0 = arith.constant 0 : i32
    %c0_i32_1 = arith.constant 0 : i32
    return %c0_i32, %c0_i32_0 : i32, i32
  }
  func.func @transform_5(%arg0: i32) -> (i32, i32, i32) {
    %c0_i32 = arith.constant 0 : i32
    %c0_i32_0 = arith.constant 0 : i32
    %c0_i32_1 = arith.constant 0 : i32
    return %arg0, %c0_i32, %c0_i32_0 : i32, i32, i32
  }
  func.func @transform_6(%arg0: i32) -> (i32, i32, i32) {
    %c0_i32 = arith.constant 0 : i32
    %c0_i32_0 = arith.constant 0 : i32
    %c0_i32_1 = arith.constant 0 : i32
    return %arg0, %c0_i32, %c0_i32_0 : i32, i32, i32
  }
}

</mosaic_0001>

<sc_bundles>
// kernel: kernel.6.cloned.1.call-start
scs
__scs_entry_jumppad:
0x0: {  	(pc) =	sbr.rel $0x88, $3  }
0x1: {  	(tag) =	ssettag $0x0;
	lr =	simm.s32 $0x1  }
0x2: {  	[smem:$0x3F8D] =	sst lr;
	_ =	strace $0xD0000000  }
0x3: {  	_ = 	snop  }
0x4: {  	_ = 	snop  }
0x5: {  	_ = 	snop  }
0x6: {  	_ = 	snop  }
0x7: {  	_ = 	snop  }
__scs_overlays_trampoline_lowered:
0x8: {  	[smem:$0x3F9C] =	sst s0  }
0x9: {  	[smem:$0x3F9D] =	sst s1  }
0xa: {  	[smem:$0x3F9E] =	sst s2  }
0xb: {  	[smem:$0x3F9F] =	sst s3  }
0xc: {  	[smem:$0x3FA0] =	sst s4  }
0xd: {  	[smem:$0x3FA1] =	sst s5  }
0xe: {  	[smem:$0x3FA2] =	sst s6  }
0xf: {  	[smem:$0x3FA3] =	sst s7  }
0x10: {  	[smem:$0x3FA4] =	sst s8  }
0x11: {  	[smem:$0x3FA5] =	sst s9;
	s0 =	simm.s32 @!p0 $0x0  }
0x12: {  	s1 =	sld [smem:$0x3F8B];
	s0 =	simm.s32 @p0 $0x1  }
0x13: {  	[smem:$0x3FA6] =	sst s0;
	s0 =	simm.s32 @!p1 $0x0  }
0x14: {  	s2 =	sld [smem:$0x3F8A];
	s0 =	simm.s32 @p1 $0x1  }
0x15: {  	[smem:$0x3FA7] =	sst s0;
	s0 =	simm.s32 @!p2 $0x0  }
0x16: {  	s3 =	sld [smem:$0x3FDB];
	s0 =	simm.s32 @p2 $0x1  }
0x17: {  	s4 =	simm.s32 $0x1BF5;
	[smem:$0x3FA9] =	sst s0  }
0x18: {  	s0 =	sld [smem:$0x3F8C];
	_ =	swait.ge [sflag:s4], $0x0  }
0x19: {  	s7 =	sld [smem:$0x3F8D]  }
0x1a: {  	s8 =	sadd.s32 $0xFFFFE003, lr  }
0x1b: {  	s9 =	sadd.s32 $0xFFFFFEF7, lr;
	s5 =	simm.s32 $0xFFFFFFFF;
	p2 =	slt.u32 s8, $0xFFFFF086  }
0x1c: {  	p1 =	slt.u32 s9, $0xF7A;
	s5 =	simm.s32 @!p2 $0x0  }
0x1d: {  	s5 =	simm.s32 @p1 $0x1;
	p0 =	seq.s32 s7, s2  }
0x1e: {  	s7 =	smul.u32 @!p0 $0xF7A, s2;
	p2 =	seq.s32 @!p0 s5, $0x0  }
0x1f: {  	s9 =	smul.u32 $0xF7A, s1;
	s8 =	simm.s32 @!p0 $0x1BF5;
	p2 =	por !p2, p0  }
0x20: {  	[sflag:s8] =	ssyncset.s32 @!p0 $0xFFFFF086;
	s6 =	sadd.s32 @!p0 s3, s7;
	s7 =	simm.s32 @!p0 $0x108  }
0x21: {  	s3 =	sadd.s32 s3, s9;
	s6 =	sadd.s32 @!p0 $0x88, s6;
	s7 =	simm.s32 @p2 $0x1082  }
0x22: {  	[simem:s7], [sflag:s8] =	dma.local @!p0 [hbm:s6], $0xF7A  }
0x23: {  	s9 =	sor.u32 $0xD0000000, s2;
	s6 =	simm.s32 $0x108;
	_ =	swait.ge @!p0 [sflag:s8], $0x0  }
0x24: {  	s3 =	sadd.s32 $0x88, s3;
	s6 =	simm.s32 @!p1 $0x1082;
	[sflag:s4] =	ssyncset.s32 $0xFFFFF086  }
0x25: {  	[simem:s6], [sflag:s4] =	dma.local [hbm:s3], $0xF7A  }
0x26: {  	[smem:$0x3F8D] =	sst s1;
	(tag) =	ssettag s2;
	_ =	strace s9  }
0x27: {  	s1 =	sld [smem:$0x3F9D]  }
0x28: {  	s2 =	sld [smem:$0x3F9E]  }
0x29: {  	s4 =	sld [smem:$0x3FA0]  }
0x2a: {  	p0 =	seq.s32 s5, $0x0;
	s5 =	sld [smem:$0x3FA1]  }
0x2b: {  	s6 =	sld [smem:$0x3FA2]  }
0x2c: {  	s7 =	sld [smem:$0x3FA3]  }
0x2d: {  	s3 =	simm.s32 $0x108;
	s8 =	sld [smem:$0x3FA4]  }
0x2e: {  	s3 =	simm.s32 @!p0 $0x1082;
	s9 =	sld [smem:$0x3FA5]  }
0x2f: {  	lr =	sadd.s32 s0, s3;
	s0 =	sld [smem:$0x3F9C]  }
0x30: {  	s3 =	sld [smem:$0x3F9F]  }
0x31: {  	[smem:$0x3FA8] =	sst s10  }
0x32: {  	s10 =	sld [smem:$0x3FA6];
	_ =	sdelay $0x3  }
0x33: {  	p0 =	seq.s32 s10, $0x1;
	s10 =	sld [smem:$0x3FA8];
	_ =	sdelay $0x3  }
0x34: {  	[smem:$0x3FA8] =	sst s10  }
0x35: {  	s10 =	sld [smem:$0x3FA7];
	_ =	sdelay $0x3  }
0x36: {  	p1 =	seq.s32 s10, $0x1;
	s10 =	sld [smem:$0x3FA8];
	_ =	sdelay $0x3  }
0x37: {  	[smem:$0x3FA8] =	sst s10  }
0x38: {  	s10 =	sld [smem:$0x3FA9]  }
0x39: {  	_ = 	snop;
	(pc) =	sbr.ind lr, $3  }
0x3a: {  	_ = 	snop  }
0x3b: {  	_ = 	snop  }
0x3c: {  	p2 =	seq.s32 s10, $0x1;
	s10 =	sld [smem:$0x3FA8]  }
0x3d: {  	_ =	shalt  }
0x3e: {  	_ =	shalt  }
0x3f: {  	_ =	shalt  }
0x40: {  	_ =	shalt  }
0x41: {  	_ =	shalt  }
0x42: {  	_ =	shalt  }
0x43: {  	_ =	shalt  }
0x44: {  	_ =	shalt  }
0x45: {  	_ =	shalt  }
0x46: {  	_ =	shalt  }
0x47: {  	_ =	shalt  }
0x48: {  	_ =	shalt  }
0x49: {  	_ =	shalt  }
0x4a: {  	_ =	shalt  }
0x4b: {  	_ =	shalt  }
0x4c: {  	_ =	shalt  }
0x4d: {  	_ =	shalt  }
0x4e: {  	_ =	shalt  }
0x4f: {  	_ =	shalt  }
0x50: {  	_ =	shalt  }
0x51: {  	_ =	shalt  }
0x52: {  	_ =	shalt  }
0x53: {  	_ =	shalt  }
0x54: {  	_ =	shalt  }
0x55: {  	_ =	shalt  }
0x56: {  	_ =	shalt  }
0x57: {  	_ =	shalt  }
0x58: {  	_ =	shalt  }
0x59: {  	_ =	shalt  }
0x5a: {  	_ =	shalt  }
0x5b: {  	_ =	shalt  }
0x5c: {  	_ =	shalt  }
0x5d: {  	_ =	shalt  }
0x5e: {  	_ =	shalt  }
0x5f: {  	_ =	shalt  }
0x60: {  	_ =	shalt  }
0x61: {  	_ =	shalt  }
0x62: {  	_ =	shalt  }
0x63: {  	_ =	shalt  }
0x64: {  	_ =	shalt  }
0x65: {  	_ =	shalt  }
0x66: {  	_ =	shalt  }
0x67: {  	_ =	shalt  }
0x68: {  	_ =	shalt  }
0x69: {  	_ =	shalt  }
0x6a: {  	_ =	shalt  }
0x6b: {  	_ =	shalt  }
0x6c: {  	_ =	shalt  }
0x6d: {  	_ =	shalt  }
0x6e: {  	_ =	shalt  }
0x6f: {  	_ =	shalt  }
0x70: {  	_ =	shalt  }
0x71: {  	_ =	shalt  }
0x72: {  	_ =	shalt  }
0x73: {  	_ =	shalt  }
0x74: {  	_ =	shalt  }
0x75: {  	_ =	shalt  }
0x76: {  	_ =	shalt  }
0x77: {  	_ =	shalt  }
0x78: {  	_ =	shalt  }
0x79: {  	_ =	shalt  }
0x7a: {  	_ =	shalt  }
0x7b: {  	_ =	shalt  }
0x7c: {  	_ =	shalt  }
0x7d: {  	_ =	shalt  }
0x7e: {  	_ =	shalt  }
0x7f: {  	_ =	shalt  }
0x80: {  	_ =	shalt  }
0x81: {  	_ =	shalt  }
0x82: {  	_ =	shalt  }
0x83: {  	_ =	shalt  }
0x84: {  	_ =	shalt  }
0x85: {  	_ =	shalt  }
0x86: {  	_ =	shalt  }
0x87: {  	_ =	shalt  }
.Lfunc_end0:
.L_simem_size_0:
called_computation_lowered:
.L_overlay_start_0:
0x88: {  	s2 =	sld [smem:$0x3FD9]  }
0x89: {  	s3 =	sld [smem:$0x3FFE];
	_ =	sdelay $0x1  }
0x8a: {  	s1 =	srdreg.scid  }
0x8b: {  	s0 =	sand.u32 $0x1, s1  }
0x8c: {  	s14 =	sshll.u32 s0, $0xA;
	s2 =	sadd.s32 s3, s2  }
0x8d: {  	s2 =	sadd.s32 s2, s14  }
0x8e: {  	[smem:$0x3FB4] =	sst s2  }
0x8f: {  	_ = 	snop  }
0x90: {  	s2 =	sld [smem:$0x3FD0];
	_ =	sdelay $0x2  }
0x91: {  	s15 =	simm.s32 $0xA;
	s4 =	simm.s32 $0x10  }
0x92: {  	[smem:s4], [sflag:s15] =	dma.local [hbm:s2], $0x1  }
0x93: {  	_ =	swait.eq [sflag:s15], $0x1  }
0x94: {  	[sflag:s15] =	ssyncset.done $0x0  }
0x95: {  	[sflag:s15] =	ssyncadd.s32 $0xFFFFFFFF  }
0x96: {  	s16 =	sld [smem:$0x10];
	(tm) =	ssettm $0x1  }
0x97: {  	s17 =	sld [smem:$0x3FFB];
	_ =	sdelay $0x3  }
0x98: {  	_ =	strace s17  }
0x99: {  	s3 =	sld [smem:$0x3FFC];
	_ =	sdelay $0x3  }
0x9a: {  	_ =	strace s3  }
0x9b: {  	s3 =	sld [smem:$0x3FFD];
	_ =	sdelay $0x3  }
0x9c: {  	_ =	strace s3  }
0x9d: {  	_ =	strace $0x8FFFFFFF  }
0x9e: {  	s18 =	sld [smem:$0x3FDB];
	_ =	sdelay $0x1  }
0x9f: {  	s19 =	simm.s32 $_scs_section_size  }
0xa0: {  	s5 =	simm.s32 $_size__tile_overlayer_lowered;
	s6 =	simm.s32 $_tile_overlayer_lowered  }
0xa1: {  	s22 =	simm.s32 $0x1BFF;
	s21 =	sshll.u32 s6, $0x1;
	s3 =	sadd.s32 s19, s18  }
0xa2: {  	s7 =	simm.s32 $0x0;
	s20 =	sshll.u32 s5, $0x1;
	s5 =	sadd.s32 s21, s3  }
0xa3: {  	[timem:s7], [sflag:s22] =	dma.local [hbm:s5], s20  }
0xa4: {  	_ =	swait.ge [sflag:s22], s20  }
0xa5: {  	s4 =	ssub.s32 $0x0, s20;
	[sflag:s22] =	ssyncset.done $0x0  }
0xa6: {  	[sflag:s22] =	ssyncadd.s32 s4;
	_ =	sdelay $0x1  }
0xa7: {  	s23 =	simm.s32 $0x1B8B  }
0xa8: {  	_ =	swait.ge [sflag:s23], $0x1  }
0xa9: {  	[sflag:s23] =	ssyncset.done $0x0  }
0xaa: {  	s25 =	simm.s32 $0x1B8E;
	s24 =	sld [smem:$0x3FFE];
	[sflag:s23] =	ssyncadd.s32 $0xFFFFFFFF  }
0xab: {  	s26 =	simm.s32 $execute0_lowered;
	[smem:$0x3FD2] =	sst s25  }
0xac: {  	s5 =	sshll.u32 s26, $0x1;
	_ =	strace $0x80000046;
	[dreg:$0x1] =	wrdreg $0xFFFFFFFF  }
0xad: {  	s28 =	simm.s32 $_size_execute0_lowered;
	s3 =	sadd.s32 s3, s5;
	[dreg:$0x0] =	wrdreg $0x0  }
0xae: {  	s5 =	sshll.u32 s28, $0x1;
	[dreg:$0x2] =	wrdreg s3  }
0xaf: {  	[dreg:$0x3] =	wrdreg s5  }
0xb0: {  	[dreg:$0x4] =	wrdreg $0xC0  }
0xb1: {  	_ =	task [dreg:s7], $0x5FFFF  }
0xb2: {  	[dreg:$0x1] =	wrdreg $0xFFFFFFFF  }
0xb3: {  	[dreg:$0x0] =	wrdreg $0x60  }
0xb4: {  	[dreg:$0x2] =	wrdreg s24  }
0xb5: {  	[dreg:$0x3] =	wrdreg s16  }
0xb6: {  	[dreg:$0x4] =	wrdreg $0x9  }
0xb7: {  	_ =	task.clear_ibuf [dreg:s7], $0x5FFFF;
	_ =	strace $0x90000046  }
0xb8: {  	s29 =	simm.s32 $0x9;
	_ =	strace $0x80000048  }
0xb9: {  	_ =	swait.ge [sflag:s29], $0x1  }
0xba: {  	[sflag:s29] =	ssyncadd.s32 $0xFFFFFFFF  }
0xbb: {  	_ =	strace $0x90000048  }
0xbc: {  	_ =	sfence  }
0xbd: {  	s30 =	sld [smem:$0x0];
	_ =	sdelay $0x2  }
0xbe: {  	s31 =	sshll.u32 s1, $0xD;
	s1 =	sshrl.u32 s1, $0x2  }
0xbf: {  	s3 =	sand.u32 $0x4000, s31;
	s1 =	sadd.s32 s1, s30  }
0xc0: {  	s0 =	sor.u32 s3, s0;
	s1 =	sshll.u32 s1, $0x11  }
0xc1: {  	s0 =	sor.u32 s1, s0  }
0xc2: {  	s0 =	sadd.s32 $0x8F2B, s0  }
0xc3: {  	[sflag:s0] =	ssyncadd.remote.s32 $0x1  }
0xc4: {  	_ =	sfence.sel $0xFFFF  }
0xc5: {  	[dreg:$0x0] =	wrdreg $0xFFFFFFFF;
	(pc) =	sbr.abs _section_cstart, $3  }
0xc6: {  	[dreg:$0x1] =	wrdreg $0xFFFFFFFF  }
0xc7: {  	_ =	task.clear_ibuf [dreg:s7], $0x2FFFF;
	_ =	strace $0x9FFFFFFF  }
0xc8: {  	(tm) =	ssettm $0x7FFFFFFF  }
0xc9: {  	_ =	shalt  }
tec
execute0_lowered:
.L_overlay_start_1:
0x0: {  	(tag) =	ssettag $0x1  }
0x1: {  	s4 =	rddreg [dreg:$0x0]  }
0x2: {  	s5 =	rddreg [dreg:$0x1]  }
0x3: {  	s0 =	rddreg [dreg:$0x2];
	s2 =	simm.s32 $0x0;
	s3 =	srdreg.scid  }
0x4: {  	s1 =	stileid.u32;
	s9 =	simm.s32 $0x1;
	s10 =	simm.s32 $0x10200  }
0x5: {  	s11 =	simm.s32 $0x0;
	s6 =	sand.u32 $0x1, s3;
	s30 =	sshll.u32 s1, $0x1  }
0x6: {  	[smem:$0x7FF] =	sst s2;
	s3 =	sadd.s32 $0x3E00, s4;
	s7 =	sor.u32 s6, s30  }
0x7: {  	_ =	strace $0x80000047;
	s6 =	ssub.s32 $0x2, s6;
	s8 =	sshll.u32 s7, $0xB  }
0x8: {  	s31 =	sshrl.u32 s6, $0x1;
	s7 =	sshll.u32 s7, $0x6;
	s8 =	sadd.s32 s8, s4  }
0x9: {  	s6 =	ssub.s32 s6, s31;
	s4 =	sadd.s32 s5, s7;
	s7 =	simm.s32 $0x2  }
0xa: {  	s5 =	sadd.s32 $0x13E00, s8;
	s6 =	smax.u32 s6, $0x1;
	s8 =	simm.s32 $0x200  }
.LBB2_1:
0xb: {  	[tilespmem:s2], [sflag:$0x2] =	stream.linear.gather [hbm4b:s4+s2], $0x200, $0x38;
	[tilespmem:$0x14200] =	vst v63  }
0xc: {  	_ =	swait.ge [sflag:s7], $0x200  }
0xd: {  	[sflag:s7] =	ssyncset.done $0x0  }
0xe: {  	[sflag:s7] =	ssyncadd.s32 $0xFFFFFE00  }
0xf: {  	[tilespmem:s8], [sflag:$0x1] =	stream.indirect.gather [hbm4b:s3+s8], $0x80, s2, s8, $0xb8;
	[tilespmem:$0x14200] =	vst v63  }
0x10: {  	_ =	swait.ge [sflag:s9], $0x10000  }
0x11: {  	[sflag:s9] =	ssyncset.done $0x0  }
0x12: {  	s12 =	simm.s32 $0x300;
	[sflag:s9] =	ssyncadd.s32 $0xFFFF0000  }
0x13: {  	v0 =	vld [tilespmem:s12+$0xFFFFFF00]  }
0x14: {  	v1 =	vld [tilespmem:s12+$0xFFFFFF80];
	_ =	sdelay $0x1  }
0x15: {  	v2 =	vld [tilespmem:s12+$0x0];
	_ =	sdelay $0x1  }
0x16: {  	v3 =	vld [tilespmem:s12+$0x80]  }
0x17: {  	v0 =	vadd.f32 v1, v0;
	_ =	sdelay $0x1  }
0x18: {  	v0 =	vadd.f32 v2, v0;
	_ =	sdelay $0x1  }
0x19: {  	v0 =	vadd.f32 v3, v0  }
0x1a: {  	s14 =	simm.s32 $0x0  }
0x1b: {  	[tilespmem:s14+$0x10200] =	vst v0  }
0x1c: {  	v0 =	vld [tilespmem:s12+$0xFFFFFF10]  }
0x1d: {  	v1 =	vld [tilespmem:s12+$0xFFFFFF90];
	_ =	sdelay $0x1  }
0x1e: {  	v2 =	vld [tilespmem:s12+$0x10];
	_ =	sdelay $0x1  }
0x1f: {  	v3 =	vld [tilespmem:s12+$0x90]  }
0x20: {  	v0 =	vadd.f32 v1, v0;
	_ =	sdelay $0x1  }
0x21: {  	v0 =	vadd.f32 v2, v0;
	_ =	sdelay $0x1  }
0x22: {  	s13 =	simm.s32 $0x200;
	v0 =	vadd.f32 v3, v0  }
.LBB2_2:
0x23: {  	p0 =	sne.s32 s13, $0xFE00  }
0x24: {  	s12 =	sadd.s32 $0x200, s12;
	s15 =	smov.u32 s13;
	s13 =	sadd.s32 $0x200, s13  }
0x25: {  	[tilespmem:s14+$0x10210] =	vst v0  }
0x26: {  	v0 =	vld [tilespmem:s12+$0xFFFFFF00]  }
0x27: {  	v1 =	vld [tilespmem:s12+$0xFFFFFF80];
	_ =	sdelay $0x1  }
0x28: {  	v2 =	vld [tilespmem:s12+$0x0];
	_ =	sdelay $0x1  }
0x29: {  	v3 =	vld [tilespmem:s12+$0x80]  }
0x2a: {  	v0 =	vadd.f32 v1, v0;
	_ =	sdelay $0x1  }
0x2b: {  	v0 =	vadd.f32 v2, v0;
	_ =	sdelay $0x1  }
0x2c: {  	v0 =	vadd.f32 v3, v0  }
0x2d: {  	s14 =	sshra.s32 s15, $0x2  }
0x2e: {  	[tilespmem:s14+$0x10200] =	vst v0  }
0x2f: {  	v0 =	vld [tilespmem:s12+$0xFFFFFF10]  }
0x30: {  	v1 =	vld [tilespmem:s12+$0xFFFFFF90]  }
0x31: {  	v2 =	vld [tilespmem:s12+$0x10];
	_ =	sdelay $0x1  }
0x32: {  	v3 =	vld [tilespmem:s12+$0x90];
	_ =	sdelay $0x1  }
.Ltmp0:
0x33: {  	v0 =	vadd.f32 v1, v0;
	(pc) =	sbr.rel @p0 .LBB2_2-.Ltmp0, $3  }
0x34: {  	_ = 	snop  }
0x35: {  	v0 =	vadd.f32 v2, v0;
	_ =	sdelay $0x1  }
0x36: {  	v0 =	vadd.f32 v3, v0  }
0x37: {  	s11 =	sadd.s32 $0x1, s11  }
0x38: {  	p0 =	sne.s32 s11, s6  }
.Ltmp1:
0x39: {  	[tilespmem:s14+$0x10210] =	vst v0;
	(pc) =	sbr.rel @p0 .LBB2_1-.Ltmp1, $4  }
0x3a: {  	[hbm4b:s5+s2] =	stream.linear.scatter [tilespmem:s10], [sflag:$0x2], $0x4000, $0x38;
	[tilespmem:$0x14200] =	vst v63  }
0x3b: {  	_ =	swait.ge [sflag:s7], $0x4000  }
0x3c: {  	[sflag:s7] =	ssyncset.done $0x0  }
0x3d: {  	[sflag:s7] =	ssyncadd.s32 $0xFFFFC000  }
0x3e: {  	_ =	sfence.sel $0x180000  }
0x3f: {  	[bflag:$0x0] =	sbarrier.arrive $0xFFFF  }
0x40: {  	p0 =	sne.s32 s1, $0x0;
	_ =	strace $0x90000047  }
0x41: {  	s0 =	sadd.s32 @!p0 $0x100000, s0;
	[bflag:$0x2] =	sbarrier.arrive $0xFFFF  }
0x42: {  	[sflag:s0] =	ssyncadd.tile.s32 @!p0 $0x1;
	_ =	shalt  }
.Lfunc_end2:
_tile_overlayer_lowered:
.L_overlay_start_2:
0x43: {  	(tag) =	ssettag $0x2  }
0x44: {  	s0 =	rddreg [dreg:$0x0];
	s2 =	stileid.u32  }
0x45: {  	s1 =	rddreg [dreg:$0x1];
	p0 =	sne.s32 s2, $0x0  }
0x46: {  	s3 =	rddreg [dreg:$0x2];
	[bflag:$0x3] =	sbarrier.arrive $0xFFFF;
	s2 =	simm.s32 @!p0 $0x1C02  }
0x47: {  	[timem:s3], [sflag:s2] =	dma.local @!p0 [hbm:s0], s1  }
0x48: {  	s0 =	simm.s32 @!p0 $0x2  }
0x49: {  	_ =	swait.ge @!p0 [sflag:s0], s1  }
0x4a: {  	s1 =	ssub.s32 @!p0 $0x0, s1;
	[sflag:s0] =	ssyncset.done @!p0 $0x0  }
0x4b: {  	[sflag:s0] =	ssyncadd.s32 @!p0 s1  }
0x4c: {  	[bflag:$0x3] =	sbarrier.arrive $0xFFFF  }
0x4d: {  	_ =	shalt  }

</sc_bundles>
